<compile_context>
chip_gen: v7x
topology: tpu7x:2x2x1
jax: 0.10.2.dev20260603
libtpu: 0.0.44.dev20260713+nightly
codegen_flags: <defaults>
</compile_context>

<pallas_src>
import jax
import jax.numpy as jnp
from jax import lax
from jax.experimental import pallas as pl
from jax.experimental.pallas import tpu as pltpu
from jax.experimental.pallas import tpu_sc as plsc

N = 10000
D = 256
H = 256
O = 64
E = 160000

N_PAD = 10240
E_PAD = 163840
NT = 16
NC = 2
CH = 128
NCHUNK = E_PAD // (NT * CH)
EPT = E_PAD // NT
EPW = E_PAD // (NT * NC)
STRIPE = N_PAD // NT
BLK = 512


def _sc_mesh():
    return plsc.VectorSubcoreMesh(core_axis_name="c", subcore_axis_name="s")


_SC_PARAMS = pltpu.CompilerParams(needs_layout_passes=False)


def _deg_body(dst_hbm, out_hbm, dst_v, deg_v):
    cid = lax.axis_index("c")
    sid = lax.axis_index("s")
    wid = sid * NC + cid
    pltpu.sync_copy(dst_hbm.at[pl.ds(wid * EPW, EPW)], dst_v)

    zero16 = jnp.zeros((16,), jnp.float32)
    ones16 = jnp.ones((16,), jnp.float32)

    def zb(i, carry):
        deg_v[pl.ds(i * 16, 16)] = zero16
        return carry

    lax.fori_loop(0, N_PAD // 16, zb, 0)

    def sb(i, carry):
        idx = dst_v[pl.ds(i * 16, 16)]
        plsc.addupdate_scatter(deg_v, [idx], ones16)
        return carry

    lax.fori_loop(0, EPW // 16, sb, 0)
    pltpu.sync_copy(deg_v, out_hbm.at[wid])


def _deg_kernel(dst_flat):
    k = pl.kernel(
        _deg_body,
        out_type=jax.ShapeDtypeStruct((NT * NC, N_PAD), jnp.float32),
        mesh=_sc_mesh(),
        scratch_types=[
            pltpu.VMEM((EPW,), jnp.int32),
            pltpu.VMEM((N_PAD,), jnp.float32),
        ],
        compiler_params=_SC_PARAMS,
    )
    return k(dst_flat)


def _tc1_body(deg_ref, x_ref, w1_ref, dinv_ref, g0_ref, g1_ref):
    deg = jnp.sum(deg_ref[...], axis=0) + 1.0
    dinv = lax.rsqrt(deg)
    hlin = jnp.dot(x_ref[...], w1_ref[...], preferred_element_type=jnp.float32)
    g = hlin * dinv[:, None]
    dinv_ref[...] = dinv
    g0_ref[...] = g[:, :128]
    g1_ref[...] = g[:, 128:]


def _tc1(deg_parts, x_pad, W1):
    nblk = N_PAD // BLK
    return pl.pallas_call(
        _tc1_body,
        grid=(nblk,),
        in_specs=[
            pl.BlockSpec((NT * NC, BLK), lambda i: (0, i)),
            pl.BlockSpec((BLK, D), lambda i: (i, 0)),
            pl.BlockSpec((D, H), lambda i: (0, 0)),
        ],
        out_specs=[
            pl.BlockSpec((BLK,), lambda i: (i,)),
            pl.BlockSpec((BLK, 128), lambda i: (i, 0)),
            pl.BlockSpec((BLK, 128), lambda i: (i, 0)),
        ],
        out_shape=[
            jax.ShapeDtypeStruct((N_PAD,), jnp.float32),
            jax.ShapeDtypeStruct((N_PAD, 128), jnp.float32),
            jax.ShapeDtypeStruct((N_PAD, 128), jnp.float32),
        ],
    )(deg_parts, x_pad, W1)


def _prop_body(g0_hbm, g1_hbm, srcp_hbm, dstp_hbm, zeros_hbm,
               acc0_hbm, acc1_hbm,
               src_idx, gbuf0, gbuf1, dstb0, dstb1, acc_sh,
               semg0, semg1, semi0, semi1):
    cid = lax.axis_index("c")
    sid = lax.axis_index("s")

    pltpu.sync_copy(srcp_hbm.at[sid], src_idx)

    def run_edges(g_hbm, acc_out_hbm):
        pltpu.sync_copy(zeros_hbm, acc_sh.at[pl.ds(sid * STRIPE, STRIPE)])
        pltpu.async_copy(dstp_hbm.at[sid, 0], dstb0, semi0)
        pltpu.async_copy(dstp_hbm.at[sid, 1], dstb1, semi1)
        pltpu.async_copy(g_hbm.at[src_idx.at[0]], gbuf0, semg0)
        pltpu.async_copy(g_hbm.at[src_idx.at[1]], gbuf1, semg1)
        plsc.subcore_barrier()

        def step(j, gbuf, dstb, semg, semi, nxt):
            pltpu.make_async_copy(g_hbm.at[src_idx.at[j]], gbuf, semg).wait()
            pltpu.make_async_copy(dstp_hbm.at[sid, j], dstb, semi).wait()
            pltpu.sync_copy(gbuf, acc_sh.at[dstb], add=True)
            if nxt:
                pltpu.async_copy(dstp_hbm.at[sid, j + 2], dstb, semi)
                pltpu.async_copy(g_hbm.at[src_idx.at[j + 2]], gbuf, semg)

        def body(i, carry):
            step(2 * i, gbuf0, dstb0, semg0, semi0, True)
            step(2 * i + 1, gbuf1, dstb1, semg1, semi1, True)
            return carry

        lax.fori_loop(0, (NCHUNK - 2) // 2, body, 0)
        step(NCHUNK - 2, gbuf0, dstb0, semg0, semi0, False)
        step(NCHUNK - 1, gbuf1, dstb1, semg1, semi1, False)

        plsc.subcore_barrier()
        pltpu.sync_copy(acc_sh.at[pl.ds(sid * STRIPE, STRIPE)],
                        acc_out_hbm.at[pl.ds(sid * STRIPE, STRIPE)])

    @pl.when(cid == 0)
    def _():
        run_edges(g0_hbm, acc0_hbm)

    @pl.when(cid == 1)
    def _():
        run_edges(g1_hbm, acc1_hbm)


def _prop_kernel(g0, g1, src_prop, dst_prop, zeros_stripe):
    k = pl.kernel(
        _prop_body,
        out_type=[
            jax.ShapeDtypeStruct((N_PAD, 128), jnp.float32),
            jax.ShapeDtypeStruct((N_PAD, 128), jnp.float32),
        ],
        mesh=_sc_mesh(),
        scratch_types=[
            pltpu.VMEM((NCHUNK, CH), jnp.int32),
            pltpu.VMEM((CH, 128), jnp.float32),
            pltpu.VMEM((CH, 128), jnp.float32),
            pltpu.VMEM((CH,), jnp.int32),
            pltpu.VMEM((CH,), jnp.int32),
            pltpu.VMEM_SHARED((N_PAD, 128), jnp.float32),
            pltpu.SemaphoreType.DMA,
            pltpu.SemaphoreType.DMA,
            pltpu.SemaphoreType.DMA,
            pltpu.SemaphoreType.DMA,
        ],
        compiler_params=_SC_PARAMS,
    )
    return k(g0, g1, src_prop, dst_prop, zeros_stripe)


def _csum_body(src_hbm, dst_hbm, dinv_hbm, out_hbm, src_v, dst_v, dinv_v,
               csum_v):
    cid = lax.axis_index("c")
    sid = lax.axis_index("s")
    wid = sid * NC + cid
    pltpu.sync_copy(src_hbm.at[pl.ds(wid * EPW, EPW)], src_v)
    pltpu.sync_copy(dst_hbm.at[pl.ds(wid * EPW, EPW)], dst_v)
    pltpu.sync_copy(dinv_hbm, dinv_v)
    zero16 = jnp.zeros((16,), jnp.float32)

    def zb(i, carry):
        csum_v[pl.ds(i * 16, 16)] = zero16
        return carry

    lax.fori_loop(0, N_PAD // 16, zb, 0)

    def cb(i, carry):
        s_idx = src_v[pl.ds(i * 16, 16)]
        d_idx = dst_v[pl.ds(i * 16, 16)]
        dv = plsc.load_gather(dinv_v, [d_idx])
        plsc.addupdate_scatter(csum_v, [s_idx], dv)
        return carry

    lax.fori_loop(0, EPW // 16, cb, 0)
    pltpu.sync_copy(csum_v, out_hbm.at[wid])


def _csum_kernel(src_flat, dst_flat, dinv):
    k = pl.kernel(
        _csum_body,
        out_type=jax.ShapeDtypeStruct((NT * NC, N_PAD), jnp.float32),
        mesh=_sc_mesh(),
        scratch_types=[
            pltpu.VMEM((EPW,), jnp.int32),
            pltpu.VMEM((EPW,), jnp.int32),
            pltpu.VMEM((N_PAD,), jnp.float32),
            pltpu.VMEM((N_PAD,), jnp.float32),
        ],
        compiler_params=_SC_PARAMS,
    )
    return k(src_flat, dst_flat, dinv)


def _tc2_body(acc0_ref, acc1_ref, g0_ref, g1_ref, dinv_ref, csum_ref, b1_ref,
              w2_ref, b2_ref, wl_ref, bl_ref, out_ref, svec):
    i = pl.program_id(0)
    csum = jnp.sum(csum_ref[...], axis=0)
    dinv = dinv_ref[...]
    row = lax.broadcasted_iota(jnp.int32, (BLK,), 0) + i * BLK
    c = jnp.where(row < N, dinv * (dinv + csum), 0.0)
    accf = jnp.concatenate([acc0_ref[...], acc1_ref[...]], axis=1)
    gf = jnp.concatenate([g0_ref[...], g1_ref[...]], axis=1)
    h = jnp.maximum(dinv[:, None] * (accf + gf) + b1_ref[...][None, :], 0.0)
    part = jnp.sum(h * c[:, None], axis=0)

    @pl.when(i == 0)
    def _():
        svec[...] = part

    @pl.when(i > 0)
    def _():
        svec[...] = svec[...] + part

    @pl.when(i == pl.num_programs(0) - 1)
    def _():
        m = (svec[...] * (1.0 / N))[None, :]
        t = jnp.dot(m, w2_ref[...], preferred_element_type=jnp.float32)
        t = t + b2_ref[...][None, :]
        o = jnp.dot(t, wl_ref[...], preferred_element_type=jnp.float32)
        out_ref[...] = o + bl_ref[...][None, :]


def _tc2(acc0, acc1, g0, g1, dinv, csum_parts, b1, W2, b2, W_lin, b_lin):
    nblk = N_PAD // BLK
    return pl.pallas_call(
        _tc2_body,
        grid=(nblk,),
        in_specs=[
            pl.BlockSpec((BLK, 128), lambda i: (i, 0)),
            pl.BlockSpec((BLK, 128), lambda i: (i, 0)),
            pl.BlockSpec((BLK, 128), lambda i: (i, 0)),
            pl.BlockSpec((BLK, 128), lambda i: (i, 0)),
            pl.BlockSpec((BLK,), lambda i: (i,)),
            pl.BlockSpec((NT * NC, BLK), lambda i: (0, i)),
            pl.BlockSpec((H,), lambda i: (0,)),
            pl.BlockSpec((H, H), lambda i: (0, 0)),
            pl.BlockSpec((H,), lambda i: (0,)),
            pl.BlockSpec((H, O), lambda i: (0, 0)),
            pl.BlockSpec((O,), lambda i: (0,)),
        ],
        out_specs=pl.BlockSpec((1, O), lambda i: (0, 0)),
        out_shape=jax.ShapeDtypeStruct((1, O), jnp.float32),
        scratch_shapes=[pltpu.VMEM((H,), jnp.float32)],
    )(acc0, acc1, g0, g1, dinv, csum_parts, b1, W2, b2, W_lin, b_lin)


@jax.jit
def kernel(x, edge_index, W1, b1, W2, b2, W_lin, b_lin):
    src = edge_index[0].astype(jnp.int32)
    dst = edge_index[1].astype(jnp.int32)
    npad = E_PAD - E
    sink = jnp.full((npad,), N, jnp.int32)
    src_flat = jnp.concatenate([src, sink])
    dst_flat = jnp.concatenate([dst, sink])
    src_prop = src_flat.reshape(NT, NCHUNK, CH)
    dst_prop = dst_flat.reshape(NT, NCHUNK, CH)
    x_pad = jnp.zeros((N_PAD, D), jnp.float32).at[:N].set(x)
    zeros_stripe = jnp.zeros((STRIPE, 128), jnp.float32)

    deg_parts = _deg_kernel(dst_flat)
    dinv, g0, g1 = _tc1(deg_parts, x_pad, W1)
    acc0, acc1 = _prop_kernel(g0, g1, src_prop, dst_prop, zeros_stripe)
    csum_parts = _csum_kernel(src_flat, dst_flat, dinv)
    return _tc2(acc0, acc1, g0, g1, dinv, csum_parts, b1, W2, b2, W_lin,
                b_lin)

# --- scband reference (transcript-rebuilt; emitter-appended) ---
"""Pipeline reference for scband-gcn-1906965479691 (READ-ONLY COPY).

The authoritative reference and input builder live on the scoring server;
editing this copy changes nothing except your own understanding.
"""

import jax, jax.numpy as jnp
import numpy as np

N = 10000
E = 160000
D = 256
H = 256
O = 64


def gcn_conv(x, edge_index, W, b):
    # PyG GCNConv: out = D^{-1/2} (A + I) D^{-1/2} X W + b
    n = x.shape[0]
    src = edge_index[0]
    dst = edge_index[1]
    loop = jnp.arange(n, dtype=src.dtype)
    src = jnp.concatenate([src, loop])
    dst = jnp.concatenate([dst, loop])
    deg = jnp.zeros((n,), dtype=x.dtype).at[dst].add(1.0)
    dinv = jnp.where(deg > 0, jax.lax.rsqrt(deg), 0.0)
    norm = dinv[src] * dinv[dst]
    h = x @ W
    msg = h[src] * norm[:, None]
    out = jnp.zeros((n, W.shape[1]), dtype=x.dtype).at[dst].add(msg)
    return out + b


def setup_inputs(seed: int = 0) -> dict:
    key = jax.random.key(seed)
    ks = jax.random.split(key, 8)
    x = jax.random.normal(ks[0], (N, D), dtype=jnp.float32)
    edge_index = jax.random.randint(ks[1], (2, E), 0, N, dtype=jnp.int64)
    W1 = jax.random.normal(ks[2], (D, H), dtype=jnp.float32) * (1.0 / np.sqrt(D))
    b1 = jnp.zeros((H,), dtype=jnp.float32)
    W2 = jax.random.normal(ks[3], (H, H), dtype=jnp.float32) * (1.0 / np.sqrt(H))
    b2 = jnp.zeros((H,), dtype=jnp.float32)
    W_lin = jax.random.normal(ks[4], (H, O), dtype=jnp.float32) * (1.0 / np.sqrt(H))
    b_lin = jnp.zeros((O,), dtype=jnp.float32)
    return {"x": x, "edge_index": edge_index, "W1": W1, "b1": b1, "W2": W2, "b2": b2, "W_lin": W_lin, "b_lin": b_lin}


def reference(x, edge_index, W1, b1, W2, b2, W_lin, b_lin):
    # x.squeeze(1) is a no-op for [N, D] input
    h = gcn_conv(x, edge_index, W1, b1)
    h = jax.nn.relu(h)
    # dropout is identity in eval/deterministic reference
    h = gcn_conv(h, edge_index, W2, b2)
    h = jnp.mean(h, axis=0, keepdims=True)
    out = h @ W_lin + b_lin
    return out

if __name__ == "__main__":
    import jax
    _d = setup_inputs()
    print(jax.jit(kernel)(*tuple(_d.values())))

</pallas_src>

<mosaic_0001>
#map = affine_map<(d0, d1) -> (0)>
#map1 = affine_map<(d0, d1) -> (0, 0)>
module attributes {stable_mosaic.version = 14 : i64} {
  func.func @_deg_body(%arg0: i32, %arg1: i32, %arg2: memref<163840xi32, #tpu.memory_space<hbm>>, %arg3: memref<32x10240xf32, #tpu.memory_space<hbm>>, %arg4: memref<5120xi32, #tpu.memory_space<vmem>>, %arg5: memref<10240xf32, #tpu.memory_space<vmem>>) attributes {dimension_semantics = [#tpu.dimension_semantics<core_parallel>, #tpu.dimension_semantics<subcore_parallel>], iteration_bounds = array<i64: 2, 16>, scalar_prefetch = 0 : i64, scratch_operands = 2 : i64, tpu.core_type = #tpu.core_type<sc_vector_subcore>, window_params = [{transform_indices = #map}, {transform_indices = #map1}]} {
    %mul3A = arith.constant 2 : i32
    %mul3A_0 = arith.muli %arg1, %mul3A : i32
    %add3A = arith.addi %mul3A_0, %arg0 : i32
    %mul3A_1 = arith.constant 5120 : i32
    %mul3A_2 = arith.muli %add3A, %mul3A_1 : i32
    "tpu.region"() ({
      %run_scoped3A = tpu.sem_alloc : memref<!tpu.dma_semaphore, #tpu.memory_space<semaphore_mem>>
      %dma_start3A = tpu.memref_slice %arg2[%mul3A_2] : memref<163840xi32, #tpu.memory_space<hbm>> -> memref<5120xi32, #tpu.memory_space<hbm>>
      %dma_start3A_17 = tpu.memref_slice %arg2[%mul3A_2] : memref<163840xi32, #tpu.memory_space<hbm>> -> memref<5120xi32, #tpu.memory_space<hbm>>
      tpu.enqueue_dma source(%dma_start3A_17 : memref<5120xi32, #tpu.memory_space<hbm>>) target(%arg4 : memref<5120xi32, #tpu.memory_space<vmem>>) target_semaphore(%run_scoped3A : memref<!tpu.dma_semaphore, #tpu.memory_space<semaphore_mem>>)
      %dma_wait3A = tpu.memref_slice %arg2[%mul3A_2] : memref<163840xi32, #tpu.memory_space<hbm>> -> memref<5120xi32, #tpu.memory_space<hbm>>
      %dma_wait3A_18 = tpu.memref_slice %arg2[%mul3A_2] : memref<163840xi32, #tpu.memory_space<hbm>> -> memref<5120xi32, #tpu.memory_space<hbm>>
      tpu.wait_dma2 semaphore(%run_scoped3A : memref<!tpu.dma_semaphore, #tpu.memory_space<semaphore_mem>>) src(%dma_wait3A_18 : memref<5120xi32, #tpu.memory_space<hbm>>) dst(%arg4 : memref<5120xi32, #tpu.memory_space<vmem>>)
      tpu.yield
    }) : () -> ()
    %broadcast_in_dim3A = arith.constant 0.000000e+00 : f32
    %broadcast_in_dim3A_3 = vector.broadcast %broadcast_in_dim3A : f32 to vector<16xf32>
    %broadcast_in_dim3A_4 = arith.constant 1.000000e+00 : f32
    %broadcast_in_dim3A_5 = vector.broadcast %broadcast_in_dim3A_4 : f32 to vector<16xf32>
    %scan3A = arith.constant 0 : i32
    %scan3A_6 = arith.constant 0 : i32
    %scan3A_7 = arith.constant 640 : i32
    %scan3A_8 = arith.addi %scan3A_6, %scan3A_7 : i32
    %scan3A_9 = arith.constant 1 : i32
    scf.for %scan3A_17 = %scan3A_6 to %scan3A_8 step %scan3A_9  : i32 {
      %mul3A_18 = arith.constant 16 : i32
      %mul3A_19 = arith.muli %scan3A_17, %mul3A_18 : i32
      %swap3A = arith.index_cast %mul3A_19 : i32 to index
      %swap3A_20 = tpu.vector_load %arg5[%swap3A] {strides = array<i32>} : memref<10240xf32, #tpu.memory_space<vmem>>, vector<16xf32>,
      tpu.vector_store %arg5[%swap3A], %broadcast_in_dim3A_3 {strides = array<i32>} : memref<10240xf32, #tpu.memory_space<vmem>>, vector<16xf32>,
    }
    %scan3A_10 = arith.constant 640 : i32
    %scan3A_11 = arith.constant 0 : i32
    %scan3A_12 = arith.constant 0 : i32
    %scan3A_13 = arith.constant 320 : i32
    %scan3A_14 = arith.addi %scan3A_12, %scan3A_13 : i32
    %scan3A_15 = arith.constant 1 : i32
    scf.for %scan3A_17 = %scan3A_12 to %scan3A_14 step %scan3A_15  : i32 {
      %mul3A_18 = arith.constant 16 : i32
      %mul3A_19 = arith.muli %scan3A_17, %mul3A_18 : i32
      %get3A = arith.index_cast %mul3A_19 : i32 to index
      %get3A_20 = tpu.vector_load %arg4[%get3A] {strides = array<i32>} : memref<5120xi32, #tpu.memory_space<vmem>>, vector<16xi32>,
      tpu.vector_store_idx %arg5[%get3A_20], %broadcast_in_dim3A_5 {add = true} : memref<10240xf32, #tpu.memory_space<vmem>>[vector<16xi32>], vector<16xf32>,
    }
    %scan3A_16 = arith.constant 320 : i32
    "tpu.region"() ({
      %run_scoped3A = tpu.sem_alloc : memref<!tpu.dma_semaphore, #tpu.memory_space<semaphore_mem>>
      %dma_start3A = arith.constant 0 : i32
      %dma_start3A_17 = tpu.memref_slice %arg3[%add3A, %dma_start3A] : memref<32x10240xf32, #tpu.memory_space<hbm>> -> memref<1x10240xf32, #tpu.memory_space<hbm>>
      %dma_start3A_18 = tpu.memref_squeeze %dma_start3A_17 : memref<1x10240xf32, #tpu.memory_space<hbm>> -> memref<10240xf32, #tpu.memory_space<hbm>>
      %dma_start3A_19 = arith.constant 0 : i32
      %dma_start3A_20 = tpu.memref_slice %arg3[%add3A, %dma_start3A_19] : memref<32x10240xf32, #tpu.memory_space<hbm>> -> memref<1x10240xf32, #tpu.memory_space<hbm>>
      %dma_start3A_21 = tpu.memref_squeeze %dma_start3A_20 : memref<1x10240xf32, #tpu.memory_space<hbm>> -> memref<10240xf32, #tpu.memory_space<hbm>>
      tpu.enqueue_dma source(%arg5 : memref<10240xf32, #tpu.memory_space<vmem>>) target(%dma_start3A_21 : memref<10240xf32, #tpu.memory_space<hbm>>) target_semaphore(%run_scoped3A : memref<!tpu.dma_semaphore, #tpu.memory_space<semaphore_mem>>)
      %dma_wait3A = arith.constant 0 : i32
      %dma_wait3A_22 = tpu.memref_slice %arg3[%add3A, %dma_wait3A] : memref<32x10240xf32, #tpu.memory_space<hbm>> -> memref<1x10240xf32, #tpu.memory_space<hbm>>
      %dma_wait3A_23 = tpu.memref_squeeze %dma_wait3A_22 : memref<1x10240xf32, #tpu.memory_space<hbm>> -> memref<10240xf32, #tpu.memory_space<hbm>>
      %dma_wait3A_24 = arith.constant 0 : i32
      %dma_wait3A_25 = tpu.memref_slice %arg3[%add3A, %dma_wait3A_24] : memref<32x10240xf32, #tpu.memory_space<hbm>> -> memref<1x10240xf32, #tpu.memory_space<hbm>>
      %dma_wait3A_26 = tpu.memref_squeeze %dma_wait3A_25 : memref<1x10240xf32, #tpu.memory_space<hbm>> -> memref<10240xf32, #tpu.memory_space<hbm>>
      tpu.wait_dma2 semaphore(%run_scoped3A : memref<!tpu.dma_semaphore, #tpu.memory_space<semaphore_mem>>) src(%arg5 : memref<10240xf32, #tpu.memory_space<vmem>>) dst(%dma_wait3A_26 : memref<10240xf32, #tpu.memory_space<hbm>>)
      tpu.yield
    }) : () -> ()
    return
  }
}

#map = affine_map<(d0, d1) -> (0, 0)>
#map1 = affine_map<(d0, d1) -> (0, 0, 0)>
module attributes {stable_mosaic.version = 14 : i64} {
  func.func @_prop_body(%arg0: i32, %arg1: i32, %arg2: memref<10240x128xf32, #tpu.memory_space<hbm>>, %arg3: memref<10240x128xf32, #tpu.memory_space<hbm>>, %arg4: memref<16x80x128xi32, #tpu.memory_space<hbm>>, %arg5: memref<16x80x128xi32, #tpu.memory_space<hbm>>, %arg6: memref<640x128xf32, #tpu.memory_space<hbm>>, %arg7: memref<10240x128xf32, #tpu.memory_space<hbm>>, %arg8: memref<10240x128xf32, #tpu.memory_space<hbm>>, %arg9: memref<80x128xi32, #tpu.memory_space<vmem>>, %arg10: memref<128x128xf32, #tpu.memory_space<vmem>>, %arg11: memref<128x128xf32, #tpu.memory_space<vmem>>, %arg12: memref<128xi32, #tpu.memory_space<vmem>>, %arg13: memref<128xi32, #tpu.memory_space<vmem>>, %arg14: memref<10240x128xf32, #tpu.memory_space<vmem_shared>>, %arg15: memref<!tpu.dma_semaphore, #tpu.memory_space<semaphore_mem>>, %arg16: memref<!tpu.dma_semaphore, #tpu.memory_space<semaphore_mem>>, %arg17: memref<!tpu.dma_semaphore, #tpu.memory_space<semaphore_mem>>, %arg18: memref<!tpu.dma_semaphore, #tpu.memory_space<semaphore_mem>>) attributes {dimension_semantics = [#tpu.dimension_semantics<core_parallel>, #tpu.dimension_semantics<subcore_parallel>], iteration_bounds = array<i64: 2, 16>, scalar_prefetch = 0 : i64, scratch_operands = 10 : i64, tpu.core_type = #tpu.core_type<sc_vector_subcore>, window_params = [{transform_indices = #map}, {transform_indices = #map}, {transform_indices = #map1}, {transform_indices = #map1}, {transform_indices = #map}, {transform_indices = #map}, {transform_indices = #map}]} {
    "tpu.region"() ({
      %run_scoped3A = tpu.sem_alloc : memref<!tpu.dma_semaphore, #tpu.memory_space<semaphore_mem>>
      %dma_start3A = arith.constant 0 : i32
      %dma_start3A_7 = arith.constant 0 : i32
      %dma_start3A_8 = tpu.memref_slice %arg4[%arg1, %dma_start3A, %dma_start3A_7] : memref<16x80x128xi32, #tpu.memory_space<hbm>> -> memref<1x80x128xi32, #tpu.memory_space<hbm>>
      %dma_start3A_9 = tpu.memref_squeeze %dma_start3A_8 : memref<1x80x128xi32, #tpu.memory_space<hbm>> -> memref<80x128xi32, #tpu.memory_space<hbm>>
      %dma_start3A_10 = arith.constant 0 : i32
      %dma_start3A_11 = arith.constant 0 : i32
      %dma_start3A_12 = tpu.memref_slice %arg4[%arg1, %dma_start3A_10, %dma_start3A_11] : memref<16x80x128xi32, #tpu.memory_space<hbm>> -> memref<1x80x128xi32, #tpu.memory_space<hbm>>
      %dma_start3A_13 = tpu.memref_squeeze %dma_start3A_12 : memref<1x80x128xi32, #tpu.memory_space<hbm>> -> memref<80x128xi32, #tpu.memory_space<hbm>>
      tpu.enqueue_dma source(%dma_start3A_13 : memref<80x128xi32, #tpu.memory_space<hbm>>) target(%arg9 : memref<80x128xi32, #tpu.memory_space<vmem>>) target_semaphore(%run_scoped3A : memref<!tpu.dma_semaphore, #tpu.memory_space<semaphore_mem>>)
      %dma_wait3A = arith.constant 0 : i32
      %dma_wait3A_14 = arith.constant 0 : i32
      %dma_wait3A_15 = tpu.memref_slice %arg4[%arg1, %dma_wait3A, %dma_wait3A_14] : memref<16x80x128xi32, #tpu.memory_space<hbm>> -> memref<1x80x128xi32, #tpu.memory_space<hbm>>
      %dma_wait3A_16 = tpu.memref_squeeze %dma_wait3A_15 : memref<1x80x128xi32, #tpu.memory_space<hbm>> -> memref<80x128xi32, #tpu.memory_space<hbm>>
      %dma_wait3A_17 = arith.constant 0 : i32
      %dma_wait3A_18 = arith.constant 0 : i32
      %dma_wait3A_19 = tpu.memref_slice %arg4[%arg1, %dma_wait3A_17, %dma_wait3A_18] : memref<16x80x128xi32, #tpu.memory_space<hbm>> -> memref<1x80x128xi32, #tpu.memory_space<hbm>>
      %dma_wait3A_20 = tpu.memref_squeeze %dma_wait3A_19 : memref<1x80x128xi32, #tpu.memory_space<hbm>> -> memref<80x128xi32, #tpu.memory_space<hbm>>
      tpu.wait_dma2 semaphore(%run_scoped3A : memref<!tpu.dma_semaphore, #tpu.memory_space<semaphore_mem>>) src(%dma_wait3A_20 : memref<80x128xi32, #tpu.memory_space<hbm>>) dst(%arg9 : memref<80x128xi32, #tpu.memory_space<vmem>>)
      tpu.yield
    }) : () -> ()
    %eq3A = arith.constant 0 : i32
    %eq3A_0 = arith.cmpi eq, %arg0, %eq3A : i32
    %convert_element_type3A = arith.extui %eq3A_0 : i1 to i32
    %cond3A = arith.constant 0 : i32
    %cond3A_1 = arith.cmpi ne, %convert_element_type3A, %cond3A : i32
    scf.if %cond3A_1 {
      %mul3A = arith.constant 640 : i32
      %mul3A_7 = arith.muli %arg1, %mul3A : i32
      "tpu.region"() ({
        %run_scoped3A = tpu.sem_alloc : memref<!tpu.dma_semaphore, #tpu.memory_space<semaphore_mem>>
        %dma_start3A_72 = arith.constant 0 : i32
        %dma_start3A_73 = tpu.memref_slice %arg14[%mul3A_7, %dma_start3A_72] : memref<10240x128xf32, #tpu.memory_space<vmem_shared>> -> memref<640x128xf32, #tpu.memory_space<vmem_shared>>
        tpu.enqueue_dma source(%arg6 : memref<640x128xf32, #tpu.memory_space<hbm>>) target(%dma_start3A_73 : memref<640x128xf32, #tpu.memory_space<vmem_shared>>) target_semaphore(%run_scoped3A : memref<!tpu.dma_semaphore, #tpu.memory_space<semaphore_mem>>)
        %dma_wait3A_74 = arith.constant 0 : i32
        %dma_wait3A_75 = tpu.memref_slice %arg14[%mul3A_7, %dma_wait3A_74] : memref<10240x128xf32, #tpu.memory_space<vmem_shared>> -> memref<640x128xf32, #tpu.memory_space<vmem_shared>>
        tpu.wait_dma2 semaphore(%run_scoped3A : memref<!tpu.dma_semaphore, #tpu.memory_space<semaphore_mem>>) src(%arg6 : memref<640x128xf32, #tpu.memory_space<hbm>>) dst(%dma_wait3A_75 : memref<640x128xf32, #tpu.memory_space<vmem_shared>>)
        tpu.yield
      }) : () -> ()
      %dma_start3A = arith.constant 0 : i32
      %dma_start3A_8 = arith.constant 0 : i32
      %dma_start3A_9 = tpu.memref_slice %arg5[%arg1, %dma_start3A, %dma_start3A_8] : memref<16x80x128xi32, #tpu.memory_space<hbm>> -> memref<1x1x128xi32, #tpu.memory_space<hbm>>
      %dma_start3A_10 = tpu.memref_squeeze %dma_start3A_9 : memref<1x1x128xi32, #tpu.memory_space<hbm>> -> memref<128xi32, #tpu.memory_space<hbm>>
      %dma_start3A_11 = arith.constant 0 : i32
      %dma_start3A_12 = tpu.memref_slice %arg5[%arg1, %dma_start3A, %dma_start3A_11] : memref<16x80x128xi32, #tpu.memory_space<hbm>> -> memref<1x1x128xi32, #tpu.memory_space<hbm>>
      %dma_start3A_13 = tpu.memref_squeeze %dma_start3A_12 : memref<1x1x128xi32, #tpu.memory_space<hbm>> -> memref<128xi32, #tpu.memory_space<hbm>>
      tpu.enqueue_dma source(%dma_start3A_13 : memref<128xi32, #tpu.memory_space<hbm>>) target(%arg12 : memref<128xi32, #tpu.memory_space<vmem>>) target_semaphore(%arg17 : memref<!tpu.dma_semaphore, #tpu.memory_space<semaphore_mem>>)
      %dma_start3A_14 = arith.constant 1 : i32
      %dma_start3A_15 = arith.constant 0 : i32
      %dma_start3A_16 = tpu.memref_slice %arg5[%arg1, %dma_start3A_14, %dma_start3A_15] : memref<16x80x128xi32, #tpu.memory_space<hbm>> -> memref<1x1x128xi32, #tpu.memory_space<hbm>>
      %dma_start3A_17 = tpu.memref_squeeze %dma_start3A_16 : memref<1x1x128xi32, #tpu.memory_space<hbm>> -> memref<128xi32, #tpu.memory_space<hbm>>
      %dma_start3A_18 = arith.constant 0 : i32
      %dma_start3A_19 = tpu.memref_slice %arg5[%arg1, %dma_start3A_14, %dma_start3A_18] : memref<16x80x128xi32, #tpu.memory_space<hbm>> -> memref<1x1x128xi32, #tpu.memory_space<hbm>>
      %dma_start3A_20 = tpu.memref_squeeze %dma_start3A_19 : memref<1x1x128xi32, #tpu.memory_space<hbm>> -> memref<128xi32, #tpu.memory_space<hbm>>
      tpu.enqueue_dma source(%dma_start3A_20 : memref<128xi32, #tpu.memory_space<hbm>>) target(%arg13 : memref<128xi32, #tpu.memory_space<vmem>>) target_semaphore(%arg18 : memref<!tpu.dma_semaphore, #tpu.memory_space<semaphore_mem>>)
      %dma_start3A_21 = arith.constant 0 : i32
      %dma_start3A_22 = arith.constant 0 : i32
      %dma_start3A_23 = tpu.memref_slice %arg9[%dma_start3A_21, %dma_start3A_22] : memref<80x128xi32, #tpu.memory_space<vmem>> -> memref<1x128xi32, #tpu.memory_space<vmem>>
      %dma_start3A_24 = tpu.memref_squeeze %dma_start3A_23 : memref<1x128xi32, #tpu.memory_space<vmem>> -> memref<128xi32, #tpu.memory_space<vmem>>
      %dma_start3A_25 = arith.constant 0 : i32
      %dma_start3A_26 = arith.constant 0 : i32
      %dma_start3A_27 = tpu.memref_slice %arg2[%dma_start3A_25, %dma_start3A_26] : memref<10240x128xf32, #tpu.memory_space<hbm>> -> memref<10240x128xf32, #tpu.memory_space<hbm>>
      tpu.enqueue_indirect_dma source(%dma_start3A_27 : memref<10240x128xf32, #tpu.memory_space<hbm>>) target(%arg10 : memref<128x128xf32, #tpu.memory_space<vmem>>) offsets(%dma_start3A_24 : memref<128xi32, #tpu.memory_space<vmem>>) semaphore(%arg15 : memref<!tpu.dma_semaphore, #tpu.memory_space<semaphore_mem>>)
      %dma_start3A_28 = arith.constant 1 : i32
      %dma_start3A_29 = arith.constant 0 : i32
      %dma_start3A_30 = tpu.memref_slice %arg9[%dma_start3A_28, %dma_start3A_29] : memref<80x128xi32, #tpu.memory_space<vmem>> -> memref<1x128xi32, #tpu.memory_space<vmem>>
      %dma_start3A_31 = tpu.memref_squeeze %dma_start3A_30 : memref<1x128xi32, #tpu.memory_space<vmem>> -> memref<128xi32, #tpu.memory_space<vmem>>
      %dma_start3A_32 = arith.constant 0 : i32
      %dma_start3A_33 = arith.constant 0 : i32
      %dma_start3A_34 = tpu.memref_slice %arg2[%dma_start3A_32, %dma_start3A_33] : memref<10240x128xf32, #tpu.memory_space<hbm>> -> memref<10240x128xf32, #tpu.memory_space<hbm>>
      tpu.enqueue_indirect_dma source(%dma_start3A_34 : memref<10240x128xf32, #tpu.memory_space<hbm>>) target(%arg11 : memref<128x128xf32, #tpu.memory_space<vmem>>) offsets(%dma_start3A_31 : memref<128xi32, #tpu.memory_space<vmem>>) semaphore(%arg16 : memref<!tpu.dma_semaphore, #tpu.memory_space<semaphore_mem>>)
      %barrier3A = arith.constant 0 : index
      tpu.barrier barrier_id(%barrier3A)
      %scan3A = arith.constant 0 : i32
      %scan3A_35 = arith.constant 0 : i32
      %scan3A_36 = arith.constant 39 : i32
      %scan3A_37 = arith.addi %scan3A_35, %scan3A_36 : i32
      %scan3A_38 = arith.constant 1 : i32
      scf.for %scan3A_72 = %scan3A_35 to %scan3A_37 step %scan3A_38  : i32 {
        %mul3A_73 = arith.constant 2 : i32
        %mul3A_74 = arith.muli %mul3A_73, %scan3A_72 : i32
        %dma_wait3A_75 = arith.constant 0 : i32
        %dma_wait3A_76 = tpu.memref_slice %arg9[%mul3A_74, %dma_wait3A_75] : memref<80x128xi32, #tpu.memory_space<vmem>> -> memref<1x128xi32, #tpu.memory_space<vmem>>
        %dma_wait3A_77 = tpu.memref_squeeze %dma_wait3A_76 : memref<1x128xi32, #tpu.memory_space<vmem>> -> memref<128xi32, #tpu.memory_space<vmem>>
        %dma_wait3A_78 = arith.constant 0 : i32
        %dma_wait3A_79 = arith.constant 0 : i32
        %dma_wait3A_80 = tpu.memref_slice %arg2[%dma_wait3A_78, %dma_wait3A_79] : memref<10240x128xf32, #tpu.memory_space<hbm>> -> memref<10240x128xf32, #tpu.memory_space<hbm>>
        tpu.wait_indirect_dma semaphore(%arg15 : memref<!tpu.dma_semaphore, #tpu.memory_space<semaphore_mem>>) src(%dma_wait3A_80 : memref<10240x128xf32, #tpu.memory_space<hbm>>) dst(%arg10 : memref<128x128xf32, #tpu.memory_space<vmem>>)
        %dma_wait3A_81 = arith.constant 0 : i32
        %dma_wait3A_82 = tpu.memref_slice %arg5[%arg1, %mul3A_74, %dma_wait3A_81] : memref<16x80x128xi32, #tpu.memory_space<hbm>> -> memref<1x1x128xi32, #tpu.memory_space<hbm>>
        %dma_wait3A_83 = tpu.memref_squeeze %dma_wait3A_82 : memref<1x1x128xi32, #tpu.memory_space<hbm>> -> memref<128xi32, #tpu.memory_space<hbm>>
        %dma_wait3A_84 = arith.constant 0 : i32
        %dma_wait3A_85 = tpu.memref_slice %arg5[%arg1, %mul3A_74, %dma_wait3A_84] : memref<16x80x128xi32, #tpu.memory_space<hbm>> -> memref<1x1x128xi32, #tpu.memory_space<hbm>>
        %dma_wait3A_86 = tpu.memref_squeeze %dma_wait3A_85 : memref<1x1x128xi32, #tpu.memory_space<hbm>> -> memref<128xi32, #tpu.memory_space<hbm>>
        tpu.wait_dma2 semaphore(%arg17 : memref<!tpu.dma_semaphore, #tpu.memory_space<semaphore_mem>>) src(%dma_wait3A_86 : memref<128xi32, #tpu.memory_space<hbm>>) dst(%arg12 : memref<128xi32, #tpu.memory_space<vmem>>)
        "tpu.region"() ({
          %run_scoped3A = tpu.sem_alloc : memref<!tpu.dma_semaphore, #tpu.memory_space<semaphore_mem>>
          %dma_start3A_134 = arith.constant 0 : i32
          %dma_start3A_135 = arith.constant 0 : i32
          %dma_start3A_136 = tpu.memref_slice %arg14[%dma_start3A_134, %dma_start3A_135] : memref<10240x128xf32, #tpu.memory_space<vmem_shared>> -> memref<10240x128xf32, #tpu.memory_space<vmem_shared>>
          tpu.enqueue_indirect_dma source(%arg10 : memref<128x128xf32, #tpu.memory_space<vmem>>) target(%dma_start3A_136 : memref<10240x128xf32, #tpu.memory_space<vmem_shared>>) offsets(%arg12 : memref<128xi32, #tpu.memory_space<vmem>>) semaphore(%run_scoped3A : memref<!tpu.dma_semaphore, #tpu.memory_space<semaphore_mem>>) {add = true}
          %dma_wait3A_137 = arith.constant 0 : i32
          %dma_wait3A_138 = arith.constant 0 : i32
          %dma_wait3A_139 = tpu.memref_slice %arg14[%dma_wait3A_137, %dma_wait3A_138] : memref<10240x128xf32, #tpu.memory_space<vmem_shared>> -> memref<10240x128xf32, #tpu.memory_space<vmem_shared>>
          tpu.wait_indirect_dma semaphore(%run_scoped3A : memref<!tpu.dma_semaphore, #tpu.memory_space<semaphore_mem>>) src(%arg10 : memref<128x128xf32, #tpu.memory_space<vmem>>) dst(%dma_wait3A_139 : memref<10240x128xf32, #tpu.memory_space<vmem_shared>>)
          tpu.yield
        }) : () -> ()
        %add3A = arith.constant 2 : i32
        %add3A_87 = arith.addi %mul3A_74, %add3A : i32
        %dma_start3A_88 = arith.constant 0 : i32
        %dma_start3A_89 = tpu.memref_slice %arg5[%arg1, %add3A_87, %dma_start3A_88] : memref<16x80x128xi32, #tpu.memory_space<hbm>> -> memref<1x1x128xi32, #tpu.memory_space<hbm>>
        %dma_start3A_90 = tpu.memref_squeeze %dma_start3A_89 : memref<1x1x128xi32, #tpu.memory_space<hbm>> -> memref<128xi32, #tpu.memory_space<hbm>>
        %dma_start3A_91 = arith.constant 0 : i32
        %dma_start3A_92 = tpu.memref_slice %arg5[%arg1, %add3A_87, %dma_start3A_91] : memref<16x80x128xi32, #tpu.memory_space<hbm>> -> memref<1x1x128xi32, #tpu.memory_space<hbm>>
        %dma_start3A_93 = tpu.memref_squeeze %dma_start3A_92 : memref<1x1x128xi32, #tpu.memory_space<hbm>> -> memref<128xi32, #tpu.memory_space<hbm>>
        tpu.enqueue_dma source(%dma_start3A_93 : memref<128xi32, #tpu.memory_space<hbm>>) target(%arg12 : memref<128xi32, #tpu.memory_space<vmem>>) target_semaphore(%arg17 : memref<!tpu.dma_semaphore, #tpu.memory_space<semaphore_mem>>)
        %add3A_94 = arith.constant 2 : i32
        %add3A_95 = arith.addi %mul3A_74, %add3A_94 : i32
        %dma_start3A_96 = arith.constant 0 : i32
        %dma_start3A_97 = tpu.memref_slice %arg9[%add3A_95, %dma_start3A_96] : memref<80x128xi32, #tpu.memory_space<vmem>> -> memref<1x128xi32, #tpu.memory_space<vmem>>
        %dma_start3A_98 = tpu.memref_squeeze %dma_start3A_97 : memref<1x128xi32, #tpu.memory_space<vmem>> -> memref<128xi32, #tpu.memory_space<vmem>>
        %dma_start3A_99 = arith.constant 0 : i32
        %dma_start3A_100 = arith.constant 0 : i32
        %dma_start3A_101 = tpu.memref_slice %arg2[%dma_start3A_99, %dma_start3A_100] : memref<10240x128xf32, #tpu.memory_space<hbm>> -> memref<10240x128xf32, #tpu.memory_space<hbm>>
        tpu.enqueue_indirect_dma source(%dma_start3A_101 : memref<10240x128xf32, #tpu.memory_space<hbm>>) target(%arg10 : memref<128x128xf32, #tpu.memory_space<vmem>>) offsets(%dma_start3A_98 : memref<128xi32, #tpu.memory_space<vmem>>) semaphore(%arg15 : memref<!tpu.dma_semaphore, #tpu.memory_space<semaphore_mem>>)
        %mul3A_102 = arith.constant 2 : i32
        %mul3A_103 = arith.muli %mul3A_102, %scan3A_72 : i32
        %add3A_104 = arith.constant 1 : i32
        %add3A_105 = arith.addi %mul3A_103, %add3A_104 : i32
        %dma_wait3A_106 = arith.constant 0 : i32
        %dma_wait3A_107 = tpu.memref_slice %arg9[%add3A_105, %dma_wait3A_106] : memref<80x128xi32, #tpu.memory_space<vmem>> -> memref<1x128xi32, #tpu.memory_space<vmem>>
        %dma_wait3A_108 = tpu.memref_squeeze %dma_wait3A_107 : memref<1x128xi32, #tpu.memory_space<vmem>> -> memref<128xi32, #tpu.memory_space<vmem>>
        %dma_wait3A_109 = arith.constant 0 : i32
        %dma_wait3A_110 = arith.constant 0 : i32
        %dma_wait3A_111 = tpu.memref_slice %arg2[%dma_wait3A_109, %dma_wait3A_110] : memref<10240x128xf32, #tpu.memory_space<hbm>> -> memref<10240x128xf32, #tpu.memory_space<hbm>>
        tpu.wait_indirect_dma semaphore(%arg16 : memref<!tpu.dma_semaphore, #tpu.memory_space<semaphore_mem>>) src(%dma_wait3A_111 : memref<10240x128xf32, #tpu.memory_space<hbm>>) dst(%arg11 : memref<128x128xf32, #tpu.memory_space<vmem>>)
        %dma_wait3A_112 = arith.constant 0 : i32
        %dma_wait3A_113 = tpu.memref_slice %arg5[%arg1, %add3A_105, %dma_wait3A_112] : memref<16x80x128xi32, #tpu.memory_space<hbm>> -> memref<1x1x128xi32, #tpu.memory_space<hbm>>
        %dma_wait3A_114 = tpu.memref_squeeze %dma_wait3A_113 : memref<1x1x128xi32, #tpu.memory_space<hbm>> -> memref<128xi32, #tpu.memory_space<hbm>>
        %dma_wait3A_115 = arith.constant 0 : i32
        %dma_wait3A_116 = tpu.memref_slice %arg5[%arg1, %add3A_105, %dma_wait3A_115] : memref<16x80x128xi32, #tpu.memory_space<hbm>> -> memref<1x1x128xi32, #tpu.memory_space<hbm>>
        %dma_wait3A_117 = tpu.memref_squeeze %dma_wait3A_116 : memref<1x1x128xi32, #tpu.memory_space<hbm>> -> memref<128xi32, #tpu.memory_space<hbm>>
        tpu.wait_dma2 semaphore(%arg18 : memref<!tpu.dma_semaphore, #tpu.memory_space<semaphore_mem>>) src(%dma_wait3A_117 : memref<128xi32, #tpu.memory_space<hbm>>) dst(%arg13 : memref<128xi32, #tpu.memory_space<vmem>>)
        "tpu.region"() ({
          %run_scoped3A = tpu.sem_alloc : memref<!tpu.dma_semaphore, #tpu.memory_space<semaphore_mem>>
          %dma_start3A_134 = arith.constant 0 : i32
          %dma_start3A_135 = arith.constant 0 : i32
          %dma_start3A_136 = tpu.memref_slice %arg14[%dma_start3A_134, %dma_start3A_135] : memref<10240x128xf32, #tpu.memory_space<vmem_shared>> -> memref<10240x128xf32, #tpu.memory_space<vmem_shared>>
          tpu.enqueue_indirect_dma source(%arg11 : memref<128x128xf32, #tpu.memory_space<vmem>>) target(%dma_start3A_136 : memref<10240x128xf32, #tpu.memory_space<vmem_shared>>) offsets(%arg13 : memref<128xi32, #tpu.memory_space<vmem>>) semaphore(%run_scoped3A : memref<!tpu.dma_semaphore, #tpu.memory_space<semaphore_mem>>) {add = true}
          %dma_wait3A_137 = arith.constant 0 : i32
          %dma_wait3A_138 = arith.constant 0 : i32
          %dma_wait3A_139 = tpu.memref_slice %arg14[%dma_wait3A_137, %dma_wait3A_138] : memref<10240x128xf32, #tpu.memory_space<vmem_shared>> -> memref<10240x128xf32, #tpu.memory_space<vmem_shared>>
          tpu.wait_indirect_dma semaphore(%run_scoped3A : memref<!tpu.dma_semaphore, #tpu.memory_space<semaphore_mem>>) src(%arg11 : memref<128x128xf32, #tpu.memory_space<vmem>>) dst(%dma_wait3A_139 : memref<10240x128xf32, #tpu.memory_space<vmem_shared>>)
          tpu.yield
        }) : () -> ()
        %add3A_118 = arith.constant 2 : i32
        %add3A_119 = arith.addi %add3A_105, %add3A_118 : i32
        %dma_start3A_120 = arith.constant 0 : i32
        %dma_start3A_121 = tpu.memref_slice %arg5[%arg1, %add3A_119, %dma_start3A_120] : memref<16x80x128xi32, #tpu.memory_space<hbm>> -> memref<1x1x128xi32, #tpu.memory_space<hbm>>
        %dma_start3A_122 = tpu.memref_squeeze %dma_start3A_121 : memref<1x1x128xi32, #tpu.memory_space<hbm>> -> memref<128xi32, #tpu.memory_space<hbm>>
        %dma_start3A_123 = arith.constant 0 : i32
        %dma_start3A_124 = tpu.memref_slice %arg5[%arg1, %add3A_119, %dma_start3A_123] : memref<16x80x128xi32, #tpu.memory_space<hbm>> -> memref<1x1x128xi32, #tpu.memory_space<hbm>>
        %dma_start3A_125 = tpu.memref_squeeze %dma_start3A_124 : memref<1x1x128xi32, #tpu.memory_space<hbm>> -> memref<128xi32, #tpu.memory_space<hbm>>
        tpu.enqueue_dma source(%dma_start3A_125 : memref<128xi32, #tpu.memory_space<hbm>>) target(%arg13 : memref<128xi32, #tpu.memory_space<vmem>>) target_semaphore(%arg18 : memref<!tpu.dma_semaphore, #tpu.memory_space<semaphore_mem>>)
        %add3A_126 = arith.constant 2 : i32
        %add3A_127 = arith.addi %add3A_105, %add3A_126 : i32
        %dma_start3A_128 = arith.constant 0 : i32
        %dma_start3A_129 = tpu.memref_slice %arg9[%add3A_127, %dma_start3A_128] : memref<80x128xi32, #tpu.memory_space<vmem>> -> memref<1x128xi32, #tpu.memory_space<vmem>>
        %dma_start3A_130 = tpu.memref_squeeze %dma_start3A_129 : memref<1x128xi32, #tpu.memory_space<vmem>> -> memref<128xi32, #tpu.memory_space<vmem>>
        %dma_start3A_131 = arith.constant 0 : i32
        %dma_start3A_132 = arith.constant 0 : i32
        %dma_start3A_133 = tpu.memref_slice %arg2[%dma_start3A_131, %dma_start3A_132] : memref<10240x128xf32, #tpu.memory_space<hbm>> -> memref<10240x128xf32, #tpu.memory_space<hbm>>
        tpu.enqueue_indirect_dma source(%dma_start3A_133 : memref<10240x128xf32, #tpu.memory_space<hbm>>) target(%arg11 : memref<128x128xf32, #tpu.memory_space<vmem>>) offsets(%dma_start3A_130 : memref<128xi32, #tpu.memory_space<vmem>>) semaphore(%arg16 : memref<!tpu.dma_semaphore, #tpu.memory_space<semaphore_mem>>)
      }
      %scan3A_39 = arith.constant 39 : i32
      %dma_wait3A = arith.constant 78 : i32
      %dma_wait3A_40 = arith.constant 0 : i32
      %dma_wait3A_41 = tpu.memref_slice %arg9[%dma_wait3A, %dma_wait3A_40] : memref<80x128xi32, #tpu.memory_space<vmem>> -> memref<1x128xi32, #tpu.memory_space<vmem>>
      %dma_wait3A_42 = tpu.memref_squeeze %dma_wait3A_41 : memref<1x128xi32, #tpu.memory_space<vmem>> -> memref<128xi32, #tpu.memory_space<vmem>>
      %dma_wait3A_43 = arith.constant 0 : i32
      %dma_wait3A_44 = arith.constant 0 : i32
      %dma_wait3A_45 = tpu.memref_slice %arg2[%dma_wait3A_43, %dma_wait3A_44] : memref<10240x128xf32, #tpu.memory_space<hbm>> -> memref<10240x128xf32, #tpu.memory_space<hbm>>
      tpu.wait_indirect_dma semaphore(%arg15 : memref<!tpu.dma_semaphore, #tpu.memory_space<semaphore_mem>>) src(%dma_wait3A_45 : memref<10240x128xf32, #tpu.memory_space<hbm>>) dst(%arg10 : memref<128x128xf32, #tpu.memory_space<vmem>>)
      %dma_wait3A_46 = arith.constant 78 : i32
      %dma_wait3A_47 = arith.constant 0 : i32
      %dma_wait3A_48 = tpu.memref_slice %arg5[%arg1, %dma_wait3A_46, %dma_wait3A_47] : memref<16x80x128xi32, #tpu.memory_space<hbm>> -> memref<1x1x128xi32, #tpu.memory_space<hbm>>
      %dma_wait3A_49 = tpu.memref_squeeze %dma_wait3A_48 : memref<1x1x128xi32, #tpu.memory_space<hbm>> -> memref<128xi32, #tpu.memory_space<hbm>>
      %dma_wait3A_50 = arith.constant 0 : i32
      %dma_wait3A_51 = tpu.memref_slice %arg5[%arg1, %dma_wait3A_46, %dma_wait3A_50] : memref<16x80x128xi32, #tpu.memory_space<hbm>> -> memref<1x1x128xi32, #tpu.memory_space<hbm>>
      %dma_wait3A_52 = tpu.memref_squeeze %dma_wait3A_51 : memref<1x1x128xi32, #tpu.memory_space<hbm>> -> memref<128xi32, #tpu.memory_space<hbm>>
      tpu.wait_dma2 semaphore(%arg17 : memref<!tpu.dma_semaphore, #tpu.memory_space<semaphore_mem>>) src(%dma_wait3A_52 : memref<128xi32, #tpu.memory_space<hbm>>) dst(%arg12 : memref<128xi32, #tpu.memory_space<vmem>>)
      "tpu.region"() ({
        %run_scoped3A = tpu.sem_alloc : memref<!tpu.dma_semaphore, #tpu.memory_space<semaphore_mem>>
        %dma_start3A_72 = arith.constant 0 : i32
        %dma_start3A_73 = arith.constant 0 : i32
        %dma_start3A_74 = tpu.memref_slice %arg14[%dma_start3A_72, %dma_start3A_73] : memref<10240x128xf32, #tpu.memory_space<vmem_shared>> -> memref<10240x128xf32, #tpu.memory_space<vmem_shared>>
        tpu.enqueue_indirect_dma source(%arg10 : memref<128x128xf32, #tpu.memory_space<vmem>>) target(%dma_start3A_74 : memref<10240x128xf32, #tpu.memory_space<vmem_shared>>) offsets(%arg12 : memref<128xi32, #tpu.memory_space<vmem>>) semaphore(%run_scoped3A : memref<!tpu.dma_semaphore, #tpu.memory_space<semaphore_mem>>) {add = true}
        %dma_wait3A_75 = arith.constant 0 : i32
        %dma_wait3A_76 = arith.constant 0 : i32
        %dma_wait3A_77 = tpu.memref_slice %arg14[%dma_wait3A_75, %dma_wait3A_76] : memref<10240x128xf32, #tpu.memory_space<vmem_shared>> -> memref<10240x128xf32, #tpu.memory_space<vmem_shared>>
        tpu.wait_indirect_dma semaphore(%run_scoped3A : memref<!tpu.dma_semaphore, #tpu.memory_space<semaphore_mem>>) src(%arg10 : memref<128x128xf32, #tpu.memory_space<vmem>>) dst(%dma_wait3A_77 : memref<10240x128xf32, #tpu.memory_space<vmem_shared>>)
        tpu.yield
      }) : () -> ()
      %dma_wait3A_53 = arith.constant 79 : i32
      %dma_wait3A_54 = arith.constant 0 : i32
      %dma_wait3A_55 = tpu.memref_slice %arg9[%dma_wait3A_53, %dma_wait3A_54] : memref<80x128xi32, #tpu.memory_space<vmem>> -> memref<1x128xi32, #tpu.memory_space<vmem>>
      %dma_wait3A_56 = tpu.memref_squeeze %dma_wait3A_55 : memref<1x128xi32, #tpu.memory_space<vmem>> -> memref<128xi32, #tpu.memory_space<vmem>>
      %dma_wait3A_57 = arith.constant 0 : i32
      %dma_wait3A_58 = arith.constant 0 : i32
      %dma_wait3A_59 = tpu.memref_slice %arg2[%dma_wait3A_57, %dma_wait3A_58] : memref<10240x128xf32, #tpu.memory_space<hbm>> -> memref<10240x128xf32, #tpu.memory_space<hbm>>
      tpu.wait_indirect_dma semaphore(%arg16 : memref<!tpu.dma_semaphore, #tpu.memory_space<semaphore_mem>>) src(%dma_wait3A_59 : memref<10240x128xf32, #tpu.memory_space<hbm>>) dst(%arg11 : memref<128x128xf32, #tpu.memory_space<vmem>>)
      %dma_wait3A_60 = arith.constant 79 : i32
      %dma_wait3A_61 = arith.constant 0 : i32
      %dma_wait3A_62 = tpu.memref_slice %arg5[%arg1, %dma_wait3A_60, %dma_wait3A_61] : memref<16x80x128xi32, #tpu.memory_space<hbm>> -> memref<1x1x128xi32, #tpu.memory_space<hbm>>
      %dma_wait3A_63 = tpu.memref_squeeze %dma_wait3A_62 : memref<1x1x128xi32, #tpu.memory_space<hbm>> -> memref<128xi32, #tpu.memory_space<hbm>>
      %dma_wait3A_64 = arith.constant 0 : i32
      %dma_wait3A_65 = tpu.memref_slice %arg5[%arg1, %dma_wait3A_60, %dma_wait3A_64] : memref<16x80x128xi32, #tpu.memory_space<hbm>> -> memref<1x1x128xi32, #tpu.memory_space<hbm>>
      %dma_wait3A_66 = tpu.memref_squeeze %dma_wait3A_65 : memref<1x1x128xi32, #tpu.memory_space<hbm>> -> memref<128xi32, #tpu.memory_space<hbm>>
      tpu.wait_dma2 semaphore(%arg18 : memref<!tpu.dma_semaphore, #tpu.memory_space<semaphore_mem>>) src(%dma_wait3A_66 : memref<128xi32, #tpu.memory_space<hbm>>) dst(%arg13 : memref<128xi32, #tpu.memory_space<vmem>>)
      "tpu.region"() ({
        %run_scoped3A = tpu.sem_alloc : memref<!tpu.dma_semaphore, #tpu.memory_space<semaphore_mem>>
        %dma_start3A_72 = arith.constant 0 : i32
        %dma_start3A_73 = arith.constant 0 : i32
        %dma_start3A_74 = tpu.memref_slice %arg14[%dma_start3A_72, %dma_start3A_73] : memref<10240x128xf32, #tpu.memory_space<vmem_shared>> -> memref<10240x128xf32, #tpu.memory_space<vmem_shared>>
        tpu.enqueue_indirect_dma source(%arg11 : memref<128x128xf32, #tpu.memory_space<vmem>>) target(%dma_start3A_74 : memref<10240x128xf32, #tpu.memory_space<vmem_shared>>) offsets(%arg13 : memref<128xi32, #tpu.memory_space<vmem>>) semaphore(%run_scoped3A : memref<!tpu.dma_semaphore, #tpu.memory_space<semaphore_mem>>) {add = true}
        %dma_wait3A_75 = arith.constant 0 : i32
        %dma_wait3A_76 = arith.constant 0 : i32
        %dma_wait3A_77 = tpu.memref_slice %arg14[%dma_wait3A_75, %dma_wait3A_76] : memref<10240x128xf32, #tpu.memory_space<vmem_shared>> -> memref<10240x128xf32, #tpu.memory_space<vmem_shared>>
        tpu.wait_indirect_dma semaphore(%run_scoped3A : memref<!tpu.dma_semaphore, #tpu.memory_space<semaphore_mem>>) src(%arg11 : memref<128x128xf32, #tpu.memory_space<vmem>>) dst(%dma_wait3A_77 : memref<10240x128xf32, #tpu.memory_space<vmem_shared>>)
        tpu.yield
      }) : () -> ()
      %barrier3A_67 = arith.constant 0 : index
      tpu.barrier barrier_id(%barrier3A_67)
      %mul3A_68 = arith.constant 640 : i32
      %mul3A_69 = arith.muli %arg1, %mul3A_68 : i32
      %mul3A_70 = arith.constant 640 : i32
      %mul3A_71 = arith.muli %arg1, %mul3A_70 : i32
      "tpu.region"() ({
        %run_scoped3A = tpu.sem_alloc : memref<!tpu.dma_semaphore, #tpu.memory_space<semaphore_mem>>
        %dma_start3A_72 = arith.constant 0 : i32
        %dma_start3A_73 = tpu.memref_slice %arg7[%mul3A_71, %dma_start3A_72] : memref<10240x128xf32, #tpu.memory_space<hbm>> -> memref<640x128xf32, #tpu.memory_space<hbm>>
        %dma_start3A_74 = arith.constant 0 : i32
        %dma_start3A_75 = tpu.memref_slice %arg14[%mul3A_69, %dma_start3A_74] : memref<10240x128xf32, #tpu.memory_space<vmem_shared>> -> memref<640x128xf32, #tpu.memory_space<vmem_shared>>
        tpu.enqueue_dma source(%dma_start3A_75 : memref<640x128xf32, #tpu.memory_space<vmem_shared>>) target(%dma_start3A_73 : memref<640x128xf32, #tpu.memory_space<hbm>>) target_semaphore(%run_scoped3A : memref<!tpu.dma_semaphore, #tpu.memory_space<semaphore_mem>>)
        %dma_wait3A_76 = arith.constant 0 : i32
        %dma_wait3A_77 = tpu.memref_slice %arg7[%mul3A_71, %dma_wait3A_76] : memref<10240x128xf32, #tpu.memory_space<hbm>> -> memref<640x128xf32, #tpu.memory_space<hbm>>
        %dma_wait3A_78 = arith.constant 0 : i32
        %dma_wait3A_79 = tpu.memref_slice %arg14[%mul3A_69, %dma_wait3A_78] : memref<10240x128xf32, #tpu.memory_space<vmem_shared>> -> memref<640x128xf32, #tpu.memory_space<vmem_shared>>
        tpu.wait_dma2 semaphore(%run_scoped3A : memref<!tpu.dma_semaphore, #tpu.memory_space<semaphore_mem>>) src(%dma_wait3A_79 : memref<640x128xf32, #tpu.memory_space<vmem_shared>>) dst(%dma_wait3A_77 : memref<640x128xf32, #tpu.memory_space<hbm>>)
        tpu.yield
      }) : () -> ()
    } else {
    }
    %eq3A_2 = arith.constant 1 : i32
    %eq3A_3 = arith.cmpi eq, %arg0, %eq3A_2 : i32
    %convert_element_type3A_4 = arith.extui %eq3A_3 : i1 to i32
    %cond3A_5 = arith.constant 0 : i32
    %cond3A_6 = arith.cmpi ne, %convert_element_type3A_4, %cond3A_5 : i32
    scf.if %cond3A_6 {
      %mul3A = arith.constant 640 : i32
      %mul3A_7 = arith.muli %arg1, %mul3A : i32
      "tpu.region"() ({
        %run_scoped3A = tpu.sem_alloc : memref<!tpu.dma_semaphore, #tpu.memory_space<semaphore_mem>>
        %dma_start3A_72 = arith.constant 0 : i32
        %dma_start3A_73 = tpu.memref_slice %arg14[%mul3A_7, %dma_start3A_72] : memref<10240x128xf32, #tpu.memory_space<vmem_shared>> -> memref<640x128xf32, #tpu.memory_space<vmem_shared>>
        tpu.enqueue_dma source(%arg6 : memref<640x128xf32, #tpu.memory_space<hbm>>) target(%dma_start3A_73 : memref<640x128xf32, #tpu.memory_space<vmem_shared>>) target_semaphore(%run_scoped3A : memref<!tpu.dma_semaphore, #tpu.memory_space<semaphore_mem>>)
        %dma_wait3A_74 = arith.constant 0 : i32
        %dma_wait3A_75 = tpu.memref_slice %arg14[%mul3A_7, %dma_wait3A_74] : memref<10240x128xf32, #tpu.memory_space<vmem_shared>> -> memref<640x128xf32, #tpu.memory_space<vmem_shared>>
        tpu.wait_dma2 semaphore(%run_scoped3A : memref<!tpu.dma_semaphore, #tpu.memory_space<semaphore_mem>>) src(%arg6 : memref<640x128xf32, #tpu.memory_space<hbm>>) dst(%dma_wait3A_75 : memref<640x128xf32, #tpu.memory_space<vmem_shared>>)
        tpu.yield
      }) : () -> ()
      %dma_start3A = arith.constant 0 : i32
      %dma_start3A_8 = arith.constant 0 : i32
      %dma_start3A_9 = tpu.memref_slice %arg5[%arg1, %dma_start3A, %dma_start3A_8] : memref<16x80x128xi32, #tpu.memory_space<hbm>> -> memref<1x1x128xi32, #tpu.memory_space<hbm>>
      %dma_start3A_10 = tpu.memref_squeeze %dma_start3A_9 : memref<1x1x128xi32, #tpu.memory_space<hbm>> -> memref<128xi32, #tpu.memory_space<hbm>>
      %dma_start3A_11 = arith.constant 0 : i32
      %dma_start3A_12 = tpu.memref_slice %arg5[%arg1, %dma_start3A, %dma_start3A_11] : memref<16x80x128xi32, #tpu.memory_space<hbm>> -> memref<1x1x128xi32, #tpu.memory_space<hbm>>
      %dma_start3A_13 = tpu.memref_squeeze %dma_start3A_12 : memref<1x1x128xi32, #tpu.memory_space<hbm>> -> memref<128xi32, #tpu.memory_space<hbm>>
      tpu.enqueue_dma source(%dma_start3A_13 : memref<128xi32, #tpu.memory_space<hbm>>) target(%arg12 : memref<128xi32, #tpu.memory_space<vmem>>) target_semaphore(%arg17 : memref<!tpu.dma_semaphore, #tpu.memory_space<semaphore_mem>>)
      %dma_start3A_14 = arith.constant 1 : i32
      %dma_start3A_15 = arith.constant 0 : i32
      %dma_start3A_16 = tpu.memref_slice %arg5[%arg1, %dma_start3A_14, %dma_start3A_15] : memref<16x80x128xi32, #tpu.memory_space<hbm>> -> memref<1x1x128xi32, #tpu.memory_space<hbm>>
      %dma_start3A_17 = tpu.memref_squeeze %dma_start3A_16 : memref<1x1x128xi32, #tpu.memory_space<hbm>> -> memref<128xi32, #tpu.memory_space<hbm>>
      %dma_start3A_18 = arith.constant 0 : i32
      %dma_start3A_19 = tpu.memref_slice %arg5[%arg1, %dma_start3A_14, %dma_start3A_18] : memref<16x80x128xi32, #tpu.memory_space<hbm>> -> memref<1x1x128xi32, #tpu.memory_space<hbm>>
      %dma_start3A_20 = tpu.memref_squeeze %dma_start3A_19 : memref<1x1x128xi32, #tpu.memory_space<hbm>> -> memref<128xi32, #tpu.memory_space<hbm>>
      tpu.enqueue_dma source(%dma_start3A_20 : memref<128xi32, #tpu.memory_space<hbm>>) target(%arg13 : memref<128xi32, #tpu.memory_space<vmem>>) target_semaphore(%arg18 : memref<!tpu.dma_semaphore, #tpu.memory_space<semaphore_mem>>)
      %dma_start3A_21 = arith.constant 0 : i32
      %dma_start3A_22 = arith.constant 0 : i32
      %dma_start3A_23 = tpu.memref_slice %arg9[%dma_start3A_21, %dma_start3A_22] : memref<80x128xi32, #tpu.memory_space<vmem>> -> memref<1x128xi32, #tpu.memory_space<vmem>>
      %dma_start3A_24 = tpu.memref_squeeze %dma_start3A_23 : memref<1x128xi32, #tpu.memory_space<vmem>> -> memref<128xi32, #tpu.memory_space<vmem>>
      %dma_start3A_25 = arith.constant 0 : i32
      %dma_start3A_26 = arith.constant 0 : i32
      %dma_start3A_27 = tpu.memref_slice %arg3[%dma_start3A_25, %dma_start3A_26] : memref<10240x128xf32, #tpu.memory_space<hbm>> -> memref<10240x128xf32, #tpu.memory_space<hbm>>
      tpu.enqueue_indirect_dma source(%dma_start3A_27 : memref<10240x128xf32, #tpu.memory_space<hbm>>) target(%arg10 : memref<128x128xf32, #tpu.memory_space<vmem>>) offsets(%dma_start3A_24 : memref<128xi32, #tpu.memory_space<vmem>>) semaphore(%arg15 : memref<!tpu.dma_semaphore, #tpu.memory_space<semaphore_mem>>)
      %dma_start3A_28 = arith.constant 1 : i32
      %dma_start3A_29 = arith.constant 0 : i32
      %dma_start3A_30 = tpu.memref_slice %arg9[%dma_start3A_28, %dma_start3A_29] : memref<80x128xi32, #tpu.memory_space<vmem>> -> memref<1x128xi32, #tpu.memory_space<vmem>>
      %dma_start3A_31 = tpu.memref_squeeze %dma_start3A_30 : memref<1x128xi32, #tpu.memory_space<vmem>> -> memref<128xi32, #tpu.memory_space<vmem>>
      %dma_start3A_32 = arith.constant 0 : i32
      %dma_start3A_33 = arith.constant 0 : i32
      %dma_start3A_34 = tpu.memref_slice %arg3[%dma_start3A_32, %dma_start3A_33] : memref<10240x128xf32, #tpu.memory_space<hbm>> -> memref<10240x128xf32, #tpu.memory_space<hbm>>
      tpu.enqueue_indirect_dma source(%dma_start3A_34 : memref<10240x128xf32, #tpu.memory_space<hbm>>) target(%arg11 : memref<128x128xf32, #tpu.memory_space<vmem>>) offsets(%dma_start3A_31 : memref<128xi32, #tpu.memory_space<vmem>>) semaphore(%arg16 : memref<!tpu.dma_semaphore, #tpu.memory_space<semaphore_mem>>)
      %barrier3A = arith.constant 0 : index
      tpu.barrier barrier_id(%barrier3A)
      %scan3A = arith.constant 0 : i32
      %scan3A_35 = arith.constant 0 : i32
      %scan3A_36 = arith.constant 39 : i32
      %scan3A_37 = arith.addi %scan3A_35, %scan3A_36 : i32
      %scan3A_38 = arith.constant 1 : i32
      scf.for %scan3A_72 = %scan3A_35 to %scan3A_37 step %scan3A_38  : i32 {
        %mul3A_73 = arith.constant 2 : i32
        %mul3A_74 = arith.muli %mul3A_73, %scan3A_72 : i32
        %dma_wait3A_75 = arith.constant 0 : i32
        %dma_wait3A_76 = tpu.memref_slice %arg9[%mul3A_74, %dma_wait3A_75] : memref<80x128xi32, #tpu.memory_space<vmem>> -> memref<1x128xi32, #tpu.memory_space<vmem>>
        %dma_wait3A_77 = tpu.memref_squeeze %dma_wait3A_76 : memref<1x128xi32, #tpu.memory_space<vmem>> -> memref<128xi32, #tpu.memory_space<vmem>>
        %dma_wait3A_78 = arith.constant 0 : i32
        %dma_wait3A_79 = arith.constant 0 : i32
        %dma_wait3A_80 = tpu.memref_slice %arg3[%dma_wait3A_78, %dma_wait3A_79] : memref<10240x128xf32, #tpu.memory_space<hbm>> -> memref<10240x128xf32, #tpu.memory_space<hbm>>
        tpu.wait_indirect_dma semaphore(%arg15 : memref<!tpu.dma_semaphore, #tpu.memory_space<semaphore_mem>>) src(%dma_wait3A_80 : memref<10240x128xf32, #tpu.memory_space<hbm>>) dst(%arg10 : memref<128x128xf32, #tpu.memory_space<vmem>>)
        %dma_wait3A_81 = arith.constant 0 : i32
        %dma_wait3A_82 = tpu.memref_slice %arg5[%arg1, %mul3A_74, %dma_wait3A_81] : memref<16x80x128xi32, #tpu.memory_space<hbm>> -> memref<1x1x128xi32, #tpu.memory_space<hbm>>
        %dma_wait3A_83 = tpu.memref_squeeze %dma_wait3A_82 : memref<1x1x128xi32, #tpu.memory_space<hbm>> -> memref<128xi32, #tpu.memory_space<hbm>>
        %dma_wait3A_84 = arith.constant 0 : i32
        %dma_wait3A_85 = tpu.memref_slice %arg5[%arg1, %mul3A_74, %dma_wait3A_84] : memref<16x80x128xi32, #tpu.memory_space<hbm>> -> memref<1x1x128xi32, #tpu.memory_space<hbm>>
        %dma_wait3A_86 = tpu.memref_squeeze %dma_wait3A_85 : memref<1x1x128xi32, #tpu.memory_space<hbm>> -> memref<128xi32, #tpu.memory_space<hbm>>
        tpu.wait_dma2 semaphore(%arg17 : memref<!tpu.dma_semaphore, #tpu.memory_space<semaphore_mem>>) src(%dma_wait3A_86 : memref<128xi32, #tpu.memory_space<hbm>>) dst(%arg12 : memref<128xi32, #tpu.memory_space<vmem>>)
        "tpu.region"() ({
          %run_scoped3A = tpu.sem_alloc : memref<!tpu.dma_semaphore, #tpu.memory_space<semaphore_mem>>
          %dma_start3A_134 = arith.constant 0 : i32
          %dma_start3A_135 = arith.constant 0 : i32
          %dma_start3A_136 = tpu.memref_slice %arg14[%dma_start3A_134, %dma_start3A_135] : memref<10240x128xf32, #tpu.memory_space<vmem_shared>> -> memref<10240x128xf32, #tpu.memory_space<vmem_shared>>
          tpu.enqueue_indirect_dma source(%arg10 : memref<128x128xf32, #tpu.memory_space<vmem>>) target(%dma_start3A_136 : memref<10240x128xf32, #tpu.memory_space<vmem_shared>>) offsets(%arg12 : memref<128xi32, #tpu.memory_space<vmem>>) semaphore(%run_scoped3A : memref<!tpu.dma_semaphore, #tpu.memory_space<semaphore_mem>>) {add = true}
          %dma_wait3A_137 = arith.constant 0 : i32
          %dma_wait3A_138 = arith.constant 0 : i32
          %dma_wait3A_139 = tpu.memref_slice %arg14[%dma_wait3A_137, %dma_wait3A_138] : memref<10240x128xf32, #tpu.memory_space<vmem_shared>> -> memref<10240x128xf32, #tpu.memory_space<vmem_shared>>
          tpu.wait_indirect_dma semaphore(%run_scoped3A : memref<!tpu.dma_semaphore, #tpu.memory_space<semaphore_mem>>) src(%arg10 : memref<128x128xf32, #tpu.memory_space<vmem>>) dst(%dma_wait3A_139 : memref<10240x128xf32, #tpu.memory_space<vmem_shared>>)
          tpu.yield
        }) : () -> ()
        %add3A = arith.constant 2 : i32
        %add3A_87 = arith.addi %mul3A_74, %add3A : i32
        %dma_start3A_88 = arith.constant 0 : i32
        %dma_start3A_89 = tpu.memref_slice %arg5[%arg1, %add3A_87, %dma_start3A_88] : memref<16x80x128xi32, #tpu.memory_space<hbm>> -> memref<1x1x128xi32, #tpu.memory_space<hbm>>
        %dma_start3A_90 = tpu.memref_squeeze %dma_start3A_89 : memref<1x1x128xi32, #tpu.memory_space<hbm>> -> memref<128xi32, #tpu.memory_space<hbm>>
        %dma_start3A_91 = arith.constant 0 : i32
        %dma_start3A_92 = tpu.memref_slice %arg5[%arg1, %add3A_87, %dma_start3A_91] : memref<16x80x128xi32, #tpu.memory_space<hbm>> -> memref<1x1x128xi32, #tpu.memory_space<hbm>>
        %dma_start3A_93 = tpu.memref_squeeze %dma_start3A_92 : memref<1x1x128xi32, #tpu.memory_space<hbm>> -> memref<128xi32, #tpu.memory_space<hbm>>
        tpu.enqueue_dma source(%dma_start3A_93 : memref<128xi32, #tpu.memory_space<hbm>>) target(%arg12 : memref<128xi32, #tpu.memory_space<vmem>>) target_semaphore(%arg17 : memref<!tpu.dma_semaphore, #tpu.memory_space<semaphore_mem>>)
        %add3A_94 = arith.constant 2 : i32
        %add3A_95 = arith.addi %mul3A_74, %add3A_94 : i32
        %dma_start3A_96 = arith.constant 0 : i32
        %dma_start3A_97 = tpu.memref_slice %arg9[%add3A_95, %dma_start3A_96] : memref<80x128xi32, #tpu.memory_space<vmem>> -> memref<1x128xi32, #tpu.memory_space<vmem>>
        %dma_start3A_98 = tpu.memref_squeeze %dma_start3A_97 : memref<1x128xi32, #tpu.memory_space<vmem>> -> memref<128xi32, #tpu.memory_space<vmem>>
        %dma_start3A_99 = arith.constant 0 : i32
        %dma_start3A_100 = arith.constant 0 : i32
        %dma_start3A_101 = tpu.memref_slice %arg3[%dma_start3A_99, %dma_start3A_100] : memref<10240x128xf32, #tpu.memory_space<hbm>> -> memref<10240x128xf32, #tpu.memory_space<hbm>>
        tpu.enqueue_indirect_dma source(%dma_start3A_101 : memref<10240x128xf32, #tpu.memory_space<hbm>>) target(%arg10 : memref<128x128xf32, #tpu.memory_space<vmem>>) offsets(%dma_start3A_98 : memref<128xi32, #tpu.memory_space<vmem>>) semaphore(%arg15 : memref<!tpu.dma_semaphore, #tpu.memory_space<semaphore_mem>>)
        %mul3A_102 = arith.constant 2 : i32
        %mul3A_103 = arith.muli %mul3A_102, %scan3A_72 : i32
        %add3A_104 = arith.constant 1 : i32
        %add3A_105 = arith.addi %mul3A_103, %add3A_104 : i32
        %dma_wait3A_106 = arith.constant 0 : i32
        %dma_wait3A_107 = tpu.memref_slice %arg9[%add3A_105, %dma_wait3A_106] : memref<80x128xi32, #tpu.memory_space<vmem>> -> memref<1x128xi32, #tpu.memory_space<vmem>>
        %dma_wait3A_108 = tpu.memref_squeeze %dma_wait3A_107 : memref<1x128xi32, #tpu.memory_space<vmem>> -> memref<128xi32, #tpu.memory_space<vmem>>
        %dma_wait3A_109 = arith.constant 0 : i32
        %dma_wait3A_110 = arith.constant 0 : i32
        %dma_wait3A_111 = tpu.memref_slice %arg3[%dma_wait3A_109, %dma_wait3A_110] : memref<10240x128xf32, #tpu.memory_space<hbm>> -> memref<10240x128xf32, #tpu.memory_space<hbm>>
        tpu.wait_indirect_dma semaphore(%arg16 : memref<!tpu.dma_semaphore, #tpu.memory_space<semaphore_mem>>) src(%dma_wait3A_111 : memref<10240x128xf32, #tpu.memory_space<hbm>>) dst(%arg11 : memref<128x128xf32, #tpu.memory_space<vmem>>)
        %dma_wait3A_112 = arith.constant 0 : i32
        %dma_wait3A_113 = tpu.memref_slice %arg5[%arg1, %add3A_105, %dma_wait3A_112] : memref<16x80x128xi32, #tpu.memory_space<hbm>> -> memref<1x1x128xi32, #tpu.memory_space<hbm>>
        %dma_wait3A_114 = tpu.memref_squeeze %dma_wait3A_113 : memref<1x1x128xi32, #tpu.memory_space<hbm>> -> memref<128xi32, #tpu.memory_space<hbm>>
        %dma_wait3A_115 = arith.constant 0 : i32
        %dma_wait3A_116 = tpu.memref_slice %arg5[%arg1, %add3A_105, %dma_wait3A_115] : memref<16x80x128xi32, #tpu.memory_space<hbm>> -> memref<1x1x128xi32, #tpu.memory_space<hbm>>
        %dma_wait3A_117 = tpu.memref_squeeze %dma_wait3A_116 : memref<1x1x128xi32, #tpu.memory_space<hbm>> -> memref<128xi32, #tpu.memory_space<hbm>>
        tpu.wait_dma2 semaphore(%arg18 : memref<!tpu.dma_semaphore, #tpu.memory_space<semaphore_mem>>) src(%dma_wait3A_117 : memref<128xi32, #tpu.memory_space<hbm>>) dst(%arg13 : memref<128xi32, #tpu.memory_space<vmem>>)
        "tpu.region"() ({
          %run_scoped3A = tpu.sem_alloc : memref<!tpu.dma_semaphore, #tpu.memory_space<semaphore_mem>>
          %dma_start3A_134 = arith.constant 0 : i32
          %dma_start3A_135 = arith.constant 0 : i32
          %dma_start3A_136 = tpu.memref_slice %arg14[%dma_start3A_134, %dma_start3A_135] : memref<10240x128xf32, #tpu.memory_space<vmem_shared>> -> memref<10240x128xf32, #tpu.memory_space<vmem_shared>>
          tpu.enqueue_indirect_dma source(%arg11 : memref<128x128xf32, #tpu.memory_space<vmem>>) target(%dma_start3A_136 : memref<10240x128xf32, #tpu.memory_space<vmem_shared>>) offsets(%arg13 : memref<128xi32, #tpu.memory_space<vmem>>) semaphore(%run_scoped3A : memref<!tpu.dma_semaphore, #tpu.memory_space<semaphore_mem>>) {add = true}
          %dma_wait3A_137 = arith.constant 0 : i32
          %dma_wait3A_138 = arith.constant 0 : i32
          %dma_wait3A_139 = tpu.memref_slice %arg14[%dma_wait3A_137, %dma_wait3A_138] : memref<10240x128xf32, #tpu.memory_space<vmem_shared>> -> memref<10240x128xf32, #tpu.memory_space<vmem_shared>>
          tpu.wait_indirect_dma semaphore(%run_scoped3A : memref<!tpu.dma_semaphore, #tpu.memory_space<semaphore_mem>>) src(%arg11 : memref<128x128xf32, #tpu.memory_space<vmem>>) dst(%dma_wait3A_139 : memref<10240x128xf32, #tpu.memory_space<vmem_shared>>)
          tpu.yield
        }) : () -> ()
        %add3A_118 = arith.constant 2 : i32
        %add3A_119 = arith.addi %add3A_105, %add3A_118 : i32
        %dma_start3A_120 = arith.constant 0 : i32
        %dma_start3A_121 = tpu.memref_slice %arg5[%arg1, %add3A_119, %dma_start3A_120] : memref<16x80x128xi32, #tpu.memory_space<hbm>> -> memref<1x1x128xi32, #tpu.memory_space<hbm>>
        %dma_start3A_122 = tpu.memref_squeeze %dma_start3A_121 : memref<1x1x128xi32, #tpu.memory_space<hbm>> -> memref<128xi32, #tpu.memory_space<hbm>>
        %dma_start3A_123 = arith.constant 0 : i32
        %dma_start3A_124 = tpu.memref_slice %arg5[%arg1, %add3A_119, %dma_start3A_123] : memref<16x80x128xi32, #tpu.memory_space<hbm>> -> memref<1x1x128xi32, #tpu.memory_space<hbm>>
        %dma_start3A_125 = tpu.memref_squeeze %dma_start3A_124 : memref<1x1x128xi32, #tpu.memory_space<hbm>> -> memref<128xi32, #tpu.memory_space<hbm>>
        tpu.enqueue_dma source(%dma_start3A_125 : memref<128xi32, #tpu.memory_space<hbm>>) target(%arg13 : memref<128xi32, #tpu.memory_space<vmem>>) target_semaphore(%arg18 : memref<!tpu.dma_semaphore, #tpu.memory_space<semaphore_mem>>)
        %add3A_126 = arith.constant 2 : i32
        %add3A_127 = arith.addi %add3A_105, %add3A_126 : i32
        %dma_start3A_128 = arith.constant 0 : i32
        %dma_start3A_129 = tpu.memref_slice %arg9[%add3A_127, %dma_start3A_128] : memref<80x128xi32, #tpu.memory_space<vmem>> -> memref<1x128xi32, #tpu.memory_space<vmem>>
        %dma_start3A_130 = tpu.memref_squeeze %dma_start3A_129 : memref<1x128xi32, #tpu.memory_space<vmem>> -> memref<128xi32, #tpu.memory_space<vmem>>
        %dma_start3A_131 = arith.constant 0 : i32
        %dma_start3A_132 = arith.constant 0 : i32
        %dma_start3A_133 = tpu.memref_slice %arg3[%dma_start3A_131, %dma_start3A_132] : memref<10240x128xf32, #tpu.memory_space<hbm>> -> memref<10240x128xf32, #tpu.memory_space<hbm>>
        tpu.enqueue_indirect_dma source(%dma_start3A_133 : memref<10240x128xf32, #tpu.memory_space<hbm>>) target(%arg11 : memref<128x128xf32, #tpu.memory_space<vmem>>) offsets(%dma_start3A_130 : memref<128xi32, #tpu.memory_space<vmem>>) semaphore(%arg16 : memref<!tpu.dma_semaphore, #tpu.memory_space<semaphore_mem>>)
      }
      %scan3A_39 = arith.constant 39 : i32
      %dma_wait3A = arith.constant 78 : i32
      %dma_wait3A_40 = arith.constant 0 : i32
      %dma_wait3A_41 = tpu.memref_slice %arg9[%dma_wait3A, %dma_wait3A_40] : memref<80x128xi32, #tpu.memory_space<vmem>> -> memref<1x128xi32, #tpu.memory_space<vmem>>
      %dma_wait3A_42 = tpu.memref_squeeze %dma_wait3A_41 : memref<1x128xi32, #tpu.memory_space<vmem>> -> memref<128xi32, #tpu.memory_space<vmem>>
      %dma_wait3A_43 = arith.constant 0 : i32
      %dma_wait3A_44 = arith.constant 0 : i32
      %dma_wait3A_45 = tpu.memref_slice %arg3[%dma_wait3A_43, %dma_wait3A_44] : memref<10240x128xf32, #tpu.memory_space<hbm>> -> memref<10240x128xf32, #tpu.memory_space<hbm>>
      tpu.wait_indirect_dma semaphore(%arg15 : memref<!tpu.dma_semaphore, #tpu.memory_space<semaphore_mem>>) src(%dma_wait3A_45 : memref<10240x128xf32, #tpu.memory_space<hbm>>) dst(%arg10 : memref<128x128xf32, #tpu.memory_space<vmem>>)
      %dma_wait3A_46 = arith.constant 78 : i32
      %dma_wait3A_47 = arith.constant 0 : i32
      %dma_wait3A_48 = tpu.memref_slice %arg5[%arg1, %dma_wait3A_46, %dma_wait3A_47] : memref<16x80x128xi32, #tpu.memory_space<hbm>> -> memref<1x1x128xi32, #tpu.memory_space<hbm>>
      %dma_wait3A_49 = tpu.memref_squeeze %dma_wait3A_48 : memref<1x1x128xi32, #tpu.memory_space<hbm>> -> memref<128xi32, #tpu.memory_space<hbm>>
      %dma_wait3A_50 = arith.constant 0 : i32
      %dma_wait3A_51 = tpu.memref_slice %arg5[%arg1, %dma_wait3A_46, %dma_wait3A_50] : memref<16x80x128xi32, #tpu.memory_space<hbm>> -> memref<1x1x128xi32, #tpu.memory_space<hbm>>
      %dma_wait3A_52 = tpu.memref_squeeze %dma_wait3A_51 : memref<1x1x128xi32, #tpu.memory_space<hbm>> -> memref<128xi32, #tpu.memory_space<hbm>>
      tpu.wait_dma2 semaphore(%arg17 : memref<!tpu.dma_semaphore, #tpu.memory_space<semaphore_mem>>) src(%dma_wait3A_52 : memref<128xi32, #tpu.memory_space<hbm>>) dst(%arg12 : memref<128xi32, #tpu.memory_space<vmem>>)
      "tpu.region"() ({
        %run_scoped3A = tpu.sem_alloc : memref<!tpu.dma_semaphore, #tpu.memory_space<semaphore_mem>>
        %dma_start3A_72 = arith.constant 0 : i32
        %dma_start3A_73 = arith.constant 0 : i32
        %dma_start3A_74 = tpu.memref_slice %arg14[%dma_start3A_72, %dma_start3A_73] : memref<10240x128xf32, #tpu.memory_space<vmem_shared>> -> memref<10240x128xf32, #tpu.memory_space<vmem_shared>>
        tpu.enqueue_indirect_dma source(%arg10 : memref<128x128xf32, #tpu.memory_space<vmem>>) target(%dma_start3A_74 : memref<10240x128xf32, #tpu.memory_space<vmem_shared>>) offsets(%arg12 : memref<128xi32, #tpu.memory_space<vmem>>) semaphore(%run_scoped3A : memref<!tpu.dma_semaphore, #tpu.memory_space<semaphore_mem>>) {add = true}
        %dma_wait3A_75 = arith.constant 0 : i32
        %dma_wait3A_76 = arith.constant 0 : i32
        %dma_wait3A_77 = tpu.memref_slice %arg14[%dma_wait3A_75, %dma_wait3A_76] : memref<10240x128xf32, #tpu.memory_space<vmem_shared>> -> memref<10240x128xf32, #tpu.memory_space<vmem_shared>>
        tpu.wait_indirect_dma semaphore(%run_scoped3A : memref<!tpu.dma_semaphore, #tpu.memory_space<semaphore_mem>>) src(%arg10 : memref<128x128xf32, #tpu.memory_space<vmem>>) dst(%dma_wait3A_77 : memref<10240x128xf32, #tpu.memory_space<vmem_shared>>)
        tpu.yield
      }) : () -> ()
      %dma_wait3A_53 = arith.constant 79 : i32
      %dma_wait3A_54 = arith.constant 0 : i32
      %dma_wait3A_55 = tpu.memref_slice %arg9[%dma_wait3A_53, %dma_wait3A_54] : memref<80x128xi32, #tpu.memory_space<vmem>> -> memref<1x128xi32, #tpu.memory_space<vmem>>
      %dma_wait3A_56 = tpu.memref_squeeze %dma_wait3A_55 : memref<1x128xi32, #tpu.memory_space<vmem>> -> memref<128xi32, #tpu.memory_space<vmem>>
      %dma_wait3A_57 = arith.constant 0 : i32
      %dma_wait3A_58 = arith.constant 0 : i32
      %dma_wait3A_59 = tpu.memref_slice %arg3[%dma_wait3A_57, %dma_wait3A_58] : memref<10240x128xf32, #tpu.memory_space<hbm>> -> memref<10240x128xf32, #tpu.memory_space<hbm>>
      tpu.wait_indirect_dma semaphore(%arg16 : memref<!tpu.dma_semaphore, #tpu.memory_space<semaphore_mem>>) src(%dma_wait3A_59 : memref<10240x128xf32, #tpu.memory_space<hbm>>) dst(%arg11 : memref<128x128xf32, #tpu.memory_space<vmem>>)
      %dma_wait3A_60 = arith.constant 79 : i32
      %dma_wait3A_61 = arith.constant 0 : i32
      %dma_wait3A_62 = tpu.memref_slice %arg5[%arg1, %dma_wait3A_60, %dma_wait3A_61] : memref<16x80x128xi32, #tpu.memory_space<hbm>> -> memref<1x1x128xi32, #tpu.memory_space<hbm>>
      %dma_wait3A_63 = tpu.memref_squeeze %dma_wait3A_62 : memref<1x1x128xi32, #tpu.memory_space<hbm>> -> memref<128xi32, #tpu.memory_space<hbm>>
      %dma_wait3A_64 = arith.constant 0 : i32
      %dma_wait3A_65 = tpu.memref_slice %arg5[%arg1, %dma_wait3A_60, %dma_wait3A_64] : memref<16x80x128xi32, #tpu.memory_space<hbm>> -> memref<1x1x128xi32, #tpu.memory_space<hbm>>
      %dma_wait3A_66 = tpu.memref_squeeze %dma_wait3A_65 : memref<1x1x128xi32, #tpu.memory_space<hbm>> -> memref<128xi32, #tpu.memory_space<hbm>>
      tpu.wait_dma2 semaphore(%arg18 : memref<!tpu.dma_semaphore, #tpu.memory_space<semaphore_mem>>) src(%dma_wait3A_66 : memref<128xi32, #tpu.memory_space<hbm>>) dst(%arg13 : memref<128xi32, #tpu.memory_space<vmem>>)
      "tpu.region"() ({
        %run_scoped3A = tpu.sem_alloc : memref<!tpu.dma_semaphore, #tpu.memory_space<semaphore_mem>>
        %dma_start3A_72 = arith.constant 0 : i32
        %dma_start3A_73 = arith.constant 0 : i32
        %dma_start3A_74 = tpu.memref_slice %arg14[%dma_start3A_72, %dma_start3A_73] : memref<10240x128xf32, #tpu.memory_space<vmem_shared>> -> memref<10240x128xf32, #tpu.memory_space<vmem_shared>>
        tpu.enqueue_indirect_dma source(%arg11 : memref<128x128xf32, #tpu.memory_space<vmem>>) target(%dma_start3A_74 : memref<10240x128xf32, #tpu.memory_space<vmem_shared>>) offsets(%arg13 : memref<128xi32, #tpu.memory_space<vmem>>) semaphore(%run_scoped3A : memref<!tpu.dma_semaphore, #tpu.memory_space<semaphore_mem>>) {add = true}
        %dma_wait3A_75 = arith.constant 0 : i32
        %dma_wait3A_76 = arith.constant 0 : i32
        %dma_wait3A_77 = tpu.memref_slice %arg14[%dma_wait3A_75, %dma_wait3A_76] : memref<10240x128xf32, #tpu.memory_space<vmem_shared>> -> memref<10240x128xf32, #tpu.memory_space<vmem_shared>>
        tpu.wait_indirect_dma semaphore(%run_scoped3A : memref<!tpu.dma_semaphore, #tpu.memory_space<semaphore_mem>>) src(%arg11 : memref<128x128xf32, #tpu.memory_space<vmem>>) dst(%dma_wait3A_77 : memref<10240x128xf32, #tpu.memory_space<vmem_shared>>)
        tpu.yield
      }) : () -> ()
      %barrier3A_67 = arith.constant 0 : index
      tpu.barrier barrier_id(%barrier3A_67)
      %mul3A_68 = arith.constant 640 : i32
      %mul3A_69 = arith.muli %arg1, %mul3A_68 : i32
      %mul3A_70 = arith.constant 640 : i32
      %mul3A_71 = arith.muli %arg1, %mul3A_70 : i32
      "tpu.region"() ({
        %run_scoped3A = tpu.sem_alloc : memref<!tpu.dma_semaphore, #tpu.memory_space<semaphore_mem>>
        %dma_start3A_72 = arith.constant 0 : i32
        %dma_start3A_73 = tpu.memref_slice %arg8[%mul3A_71, %dma_start3A_72] : memref<10240x128xf32, #tpu.memory_space<hbm>> -> memref<640x128xf32, #tpu.memory_space<hbm>>
        %dma_start3A_74 = arith.constant 0 : i32
        %dma_start3A_75 = tpu.memref_slice %arg14[%mul3A_69, %dma_start3A_74] : memref<10240x128xf32, #tpu.memory_space<vmem_shared>> -> memref<640x128xf32, #tpu.memory_space<vmem_shared>>
        tpu.enqueue_dma source(%dma_start3A_75 : memref<640x128xf32, #tpu.memory_space<vmem_shared>>) target(%dma_start3A_73 : memref<640x128xf32, #tpu.memory_space<hbm>>) target_semaphore(%run_scoped3A : memref<!tpu.dma_semaphore, #tpu.memory_space<semaphore_mem>>)
        %dma_wait3A_76 = arith.constant 0 : i32
        %dma_wait3A_77 = tpu.memref_slice %arg8[%mul3A_71, %dma_wait3A_76] : memref<10240x128xf32, #tpu.memory_space<hbm>> -> memref<640x128xf32, #tpu.memory_space<hbm>>
        %dma_wait3A_78 = arith.constant 0 : i32
        %dma_wait3A_79 = tpu.memref_slice %arg14[%mul3A_69, %dma_wait3A_78] : memref<10240x128xf32, #tpu.memory_space<vmem_shared>> -> memref<640x128xf32, #tpu.memory_space<vmem_shared>>
        tpu.wait_dma2 semaphore(%run_scoped3A : memref<!tpu.dma_semaphore, #tpu.memory_space<semaphore_mem>>) src(%dma_wait3A_79 : memref<640x128xf32, #tpu.memory_space<vmem_shared>>) dst(%dma_wait3A_77 : memref<640x128xf32, #tpu.memory_space<hbm>>)
        tpu.yield
      }) : () -> ()
    } else {
    }
    return
  }
}

#map = affine_map<(d0, d1) -> (0)>
#map1 = affine_map<(d0, d1) -> (0, 0)>
module attributes {stable_mosaic.version = 14 : i64} {
  func.func @_csum_body(%arg0: i32, %arg1: i32, %arg2: memref<163840xi32, #tpu.memory_space<hbm>>, %arg3: memref<163840xi32, #tpu.memory_space<hbm>>, %arg4: memref<10240xf32, #tpu.memory_space<hbm>>, %arg5: memref<32x10240xf32, #tpu.memory_space<hbm>>, %arg6: memref<5120xi32, #tpu.memory_space<vmem>>, %arg7: memref<5120xi32, #tpu.memory_space<vmem>>, %arg8: memref<10240xf32, #tpu.memory_space<vmem>>, %arg9: memref<10240xf32, #tpu.memory_space<vmem>>) attributes {dimension_semantics = [#tpu.dimension_semantics<core_parallel>, #tpu.dimension_semantics<subcore_parallel>], iteration_bounds = array<i64: 2, 16>, scalar_prefetch = 0 : i64, scratch_operands = 4 : i64, tpu.core_type = #tpu.core_type<sc_vector_subcore>, window_params = [{transform_indices = #map}, {transform_indices = #map}, {transform_indices = #map}, {transform_indices = #map1}]} {
    %mul3A = arith.constant 2 : i32
    %mul3A_0 = arith.muli %arg1, %mul3A : i32
    %add3A = arith.addi %mul3A_0, %arg0 : i32
    %mul3A_1 = arith.constant 5120 : i32
    %mul3A_2 = arith.muli %add3A, %mul3A_1 : i32
    "tpu.region"() ({
      %run_scoped3A = tpu.sem_alloc : memref<!tpu.dma_semaphore, #tpu.memory_space<semaphore_mem>>
      %dma_start3A = tpu.memref_slice %arg2[%mul3A_2] : memref<163840xi32, #tpu.memory_space<hbm>> -> memref<5120xi32, #tpu.memory_space<hbm>>
      %dma_start3A_17 = tpu.memref_slice %arg2[%mul3A_2] : memref<163840xi32, #tpu.memory_space<hbm>> -> memref<5120xi32, #tpu.memory_space<hbm>>
      tpu.enqueue_dma source(%dma_start3A_17 : memref<5120xi32, #tpu.memory_space<hbm>>) target(%arg6 : memref<5120xi32, #tpu.memory_space<vmem>>) target_semaphore(%run_scoped3A : memref<!tpu.dma_semaphore, #tpu.memory_space<semaphore_mem>>)
      %dma_wait3A = tpu.memref_slice %arg2[%mul3A_2] : memref<163840xi32, #tpu.memory_space<hbm>> -> memref<5120xi32, #tpu.memory_space<hbm>>
      %dma_wait3A_18 = tpu.memref_slice %arg2[%mul3A_2] : memref<163840xi32, #tpu.memory_space<hbm>> -> memref<5120xi32, #tpu.memory_space<hbm>>
      tpu.wait_dma2 semaphore(%run_scoped3A : memref<!tpu.dma_semaphore, #tpu.memory_space<semaphore_mem>>) src(%dma_wait3A_18 : memref<5120xi32, #tpu.memory_space<hbm>>) dst(%arg6 : memref<5120xi32, #tpu.memory_space<vmem>>)
      tpu.yield
    }) : () -> ()
    %mul3A_3 = arith.constant 5120 : i32
    %mul3A_4 = arith.muli %add3A, %mul3A_3 : i32
    "tpu.region"() ({
      %run_scoped3A = tpu.sem_alloc : memref<!tpu.dma_semaphore, #tpu.memory_space<semaphore_mem>>
      %dma_start3A = tpu.memref_slice %arg3[%mul3A_4] : memref<163840xi32, #tpu.memory_space<hbm>> -> memref<5120xi32, #tpu.memory_space<hbm>>
      %dma_start3A_17 = tpu.memref_slice %arg3[%mul3A_4] : memref<163840xi32, #tpu.memory_space<hbm>> -> memref<5120xi32, #tpu.memory_space<hbm>>
      tpu.enqueue_dma source(%dma_start3A_17 : memref<5120xi32, #tpu.memory_space<hbm>>) target(%arg7 : memref<5120xi32, #tpu.memory_space<vmem>>) target_semaphore(%run_scoped3A : memref<!tpu.dma_semaphore, #tpu.memory_space<semaphore_mem>>)
      %dma_wait3A = tpu.memref_slice %arg3[%mul3A_4] : memref<163840xi32, #tpu.memory_space<hbm>> -> memref<5120xi32, #tpu.memory_space<hbm>>
      %dma_wait3A_18 = tpu.memref_slice %arg3[%mul3A_4] : memref<163840xi32, #tpu.memory_space<hbm>> -> memref<5120xi32, #tpu.memory_space<hbm>>
      tpu.wait_dma2 semaphore(%run_scoped3A : memref<!tpu.dma_semaphore, #tpu.memory_space<semaphore_mem>>) src(%dma_wait3A_18 : memref<5120xi32, #tpu.memory_space<hbm>>) dst(%arg7 : memref<5120xi32, #tpu.memory_space<vmem>>)
      tpu.yield
    }) : () -> ()
    "tpu.region"() ({
      %run_scoped3A = tpu.sem_alloc : memref<!tpu.dma_semaphore, #tpu.memory_space<semaphore_mem>>
      tpu.enqueue_dma source(%arg4 : memref<10240xf32, #tpu.memory_space<hbm>>) target(%arg8 : memref<10240xf32, #tpu.memory_space<vmem>>) target_semaphore(%run_scoped3A : memref<!tpu.dma_semaphore, #tpu.memory_space<semaphore_mem>>)
      tpu.wait_dma2 semaphore(%run_scoped3A : memref<!tpu.dma_semaphore, #tpu.memory_space<semaphore_mem>>) src(%arg4 : memref<10240xf32, #tpu.memory_space<hbm>>) dst(%arg8 : memref<10240xf32, #tpu.memory_space<vmem>>)
      tpu.yield
    }) : () -> ()
    %broadcast_in_dim3A = arith.constant 0.000000e+00 : f32
    %broadcast_in_dim3A_5 = vector.broadcast %broadcast_in_dim3A : f32 to vector<16xf32>
    %scan3A = arith.constant 0 : i32
    %scan3A_6 = arith.constant 0 : i32
    %scan3A_7 = arith.constant 640 : i32
    %scan3A_8 = arith.addi %scan3A_6, %scan3A_7 : i32
    %scan3A_9 = arith.constant 1 : i32
    scf.for %scan3A_17 = %scan3A_6 to %scan3A_8 step %scan3A_9  : i32 {
      %mul3A_18 = arith.constant 16 : i32
      %mul3A_19 = arith.muli %scan3A_17, %mul3A_18 : i32
      %swap3A = arith.index_cast %mul3A_19 : i32 to index
      %swap3A_20 = tpu.vector_load %arg9[%swap3A] {strides = array<i32>} : memref<10240xf32, #tpu.memory_space<vmem>>, vector<16xf32>,
      tpu.vector_store %arg9[%swap3A], %broadcast_in_dim3A_5 {strides = array<i32>} : memref<10240xf32, #tpu.memory_space<vmem>>, vector<16xf32>,
    }
    %scan3A_10 = arith.constant 640 : i32
    %scan3A_11 = arith.constant 0 : i32
    %scan3A_12 = arith.constant 0 : i32
    %scan3A_13 = arith.constant 320 : i32
    %scan3A_14 = arith.addi %scan3A_12, %scan3A_13 : i32
    %scan3A_15 = arith.constant 1 : i32
    scf.for %scan3A_17 = %scan3A_12 to %scan3A_14 step %scan3A_15  : i32 {
      %mul3A_18 = arith.constant 16 : i32
      %mul3A_19 = arith.muli %scan3A_17, %mul3A_18 : i32
      %get3A = arith.index_cast %mul3A_19 : i32 to index
      %get3A_20 = tpu.vector_load %arg6[%get3A] {strides = array<i32>} : memref<5120xi32, #tpu.memory_space<vmem>>, vector<16xi32>,
      %mul3A_21 = arith.constant 16 : i32
      %mul3A_22 = arith.muli %scan3A_17, %mul3A_21 : i32
      %get3A_23 = arith.index_cast %mul3A_22 : i32 to index
      %get3A_24 = tpu.vector_load %arg7[%get3A_23] {strides = array<i32>} : memref<5120xi32, #tpu.memory_space<vmem>>, vector<16xi32>,
      %gather3A = tpu.vector_load_idx %arg8[%get3A_24] : memref<10240xf32, #tpu.memory_space<vmem>>[vector<16xi32>], vector<16xf32>,
      tpu.vector_store_idx %arg9[%get3A_20], %gather3A {add = true} : memref<10240xf32, #tpu.memory_space<vmem>>[vector<16xi32>], vector<16xf32>,
    }
    %scan3A_16 = arith.constant 320 : i32
    "tpu.region"() ({
      %run_scoped3A = tpu.sem_alloc : memref<!tpu.dma_semaphore, #tpu.memory_space<semaphore_mem>>
      %dma_start3A = arith.constant 0 : i32
      %dma_start3A_17 = tpu.memref_slice %arg5[%add3A, %dma_start3A] : memref<32x10240xf32, #tpu.memory_space<hbm>> -> memref<1x10240xf32, #tpu.memory_space<hbm>>
      %dma_start3A_18 = tpu.memref_squeeze %dma_start3A_17 : memref<1x10240xf32, #tpu.memory_space<hbm>> -> memref<10240xf32, #tpu.memory_space<hbm>>
      %dma_start3A_19 = arith.constant 0 : i32
      %dma_start3A_20 = tpu.memref_slice %arg5[%add3A, %dma_start3A_19] : memref<32x10240xf32, #tpu.memory_space<hbm>> -> memref<1x10240xf32, #tpu.memory_space<hbm>>
      %dma_start3A_21 = tpu.memref_squeeze %dma_start3A_20 : memref<1x10240xf32, #tpu.memory_space<hbm>> -> memref<10240xf32, #tpu.memory_space<hbm>>
      tpu.enqueue_dma source(%arg9 : memref<10240xf32, #tpu.memory_space<vmem>>) target(%dma_start3A_21 : memref<10240xf32, #tpu.memory_space<hbm>>) target_semaphore(%run_scoped3A : memref<!tpu.dma_semaphore, #tpu.memory_space<semaphore_mem>>)
      %dma_wait3A = arith.constant 0 : i32
      %dma_wait3A_22 = tpu.memref_slice %arg5[%add3A, %dma_wait3A] : memref<32x10240xf32, #tpu.memory_space<hbm>> -> memref<1x10240xf32, #tpu.memory_space<hbm>>
      %dma_wait3A_23 = tpu.memref_squeeze %dma_wait3A_22 : memref<1x10240xf32, #tpu.memory_space<hbm>> -> memref<10240xf32, #tpu.memory_space<hbm>>
      %dma_wait3A_24 = arith.constant 0 : i32
      %dma_wait3A_25 = tpu.memref_slice %arg5[%add3A, %dma_wait3A_24] : memref<32x10240xf32, #tpu.memory_space<hbm>> -> memref<1x10240xf32, #tpu.memory_space<hbm>>
      %dma_wait3A_26 = tpu.memref_squeeze %dma_wait3A_25 : memref<1x10240xf32, #tpu.memory_space<hbm>> -> memref<10240xf32, #tpu.memory_space<hbm>>
      tpu.wait_dma2 semaphore(%run_scoped3A : memref<!tpu.dma_semaphore, #tpu.memory_space<semaphore_mem>>) src(%arg9 : memref<10240xf32, #tpu.memory_space<vmem>>) dst(%dma_wait3A_26 : memref<10240xf32, #tpu.memory_space<hbm>>)
      tpu.yield
    }) : () -> ()
    return
  }
}

module attributes {stable_mosaic.version = 14 : i64} {
  func.func @_tc1_body(%arg0: i32, %arg1: memref<32x512xf32, #tpu.memory_space<vmem>>, %arg2: memref<512x256xf32, #tpu.memory_space<vmem>>, %arg3: memref<256x256xf32, #tpu.memory_space<vmem>>, %arg4: memref<512xf32, #tpu.memory_space<vmem>>, %arg5: memref<512x128xf32, #tpu.memory_space<vmem>>, %arg6: memref<512x128xf32, #tpu.memory_space<vmem>>) attributes {dimension_semantics = [#tpu.dimension_semantics<arbitrary>], iteration_bounds = array<i64: 20>, scalar_prefetch = 0 : i64, scratch_operands = 0 : i64, tpu.core_type = #tpu.core_type<tc>, window_params = [{transform_indices = @transform_0, window_bounds = array<i64: 32, 512>}, {transform_indices = @transform_1, window_bounds = array<i64: 512, 256>}, {pipeline_mode = #tpu.pipeline_mode<synchronous>, transform_indices = @transform_2, window_bounds = array<i64: 256, 256>}, {transform_indices = @transform_3, window_bounds = array<i64: 512>}, {transform_indices = @transform_4, window_bounds = array<i64: 512, 128>}, {transform_indices = @transform_5, window_bounds = array<i64: 512, 128>}]} {
    %get3A = arith.constant 0 : index
    %get3A_0 = arith.constant 0 : index
    %get3A_1 = vector.load %arg1[%get3A, %get3A_0] : memref<32x512xf32, #tpu.memory_space<vmem>>, vector<32x512xf32>
    %reduce_sum3A = arith.constant dense<0.000000e+00> : vector<512xf32>
    %reduce_sum3A_2 = vector.multi_reduction <add>, %get3A_1, %reduce_sum3A [0] : vector<32x512xf32> to vector<512xf32>
    %add3A = arith.constant 1.000000e+00 : f32
    %add3A_3 = vector.broadcast %add3A : f32 to vector<512xf32>
    %add3A_4 = arith.addf %reduce_sum3A_2, %add3A_3 : vector<512xf32>
    %rsqrt3A = math.rsqrt %add3A_4 : vector<512xf32>
    %get3A_5 = arith.constant 0 : index
    %get3A_6 = arith.constant 0 : index
    %get3A_7 = vector.load %arg2[%get3A_5, %get3A_6] : memref<512x256xf32, #tpu.memory_space<vmem>>, vector<512x256xf32>
    %get3A_8 = arith.constant 0 : index
    %get3A_9 = arith.constant 0 : index
    %get3A_10 = vector.load %arg3[%get3A_8, %get3A_9] : memref<256x256xf32, #tpu.memory_space<vmem>>, vector<256x256xf32>
    %dot_general3A = arith.constant dense<0.000000e+00> : vector<512x256xf32>
    %dot_general3A_11 = tpu.matmul %get3A_7, %get3A_10, %dot_general3A {dimension_numbers = #tpu.dot_dimension_numbers<[1], [0], [0], [1], [0, 0, 1, 1], [], []>, transpose_lhs_hint = false} : vector<512x256xf32>, vector<256x256xf32>, vector<512x256xf32> -> vector<512x256xf32>
    %broadcast_in_dim3A = vector.shape_cast %rsqrt3A : vector<512xf32> to vector<512x1xf32>
    %mul3A = vector.broadcast %broadcast_in_dim3A : vector<512x1xf32> to vector<512x256xf32>
    %mul3A_12 = arith.mulf %dot_general3A_11, %mul3A : vector<512x256xf32>
    %swap3A = arith.constant 0 : index
    %swap3A_13 = vector.load %arg4[%swap3A] : memref<512xf32, #tpu.memory_space<vmem>>, vector<512xf32>
    tpu.vector_store %arg4[%swap3A], %rsqrt3A {strides = array<i32>} : memref<512xf32, #tpu.memory_space<vmem>>, vector<512xf32>,
    %slice3A = vector.extract_strided_slice %mul3A_12 {offsets = [0, 0], sizes = [512, 128], strides = [1, 1]} : vector<512x256xf32> to vector<512x128xf32>
    %swap3A_14 = arith.constant 0 : index
    %swap3A_15 = arith.constant 0 : index
    %swap3A_16 = vector.load %arg5[%swap3A_14, %swap3A_15] : memref<512x128xf32, #tpu.memory_space<vmem>>, vector<512x128xf32>
    tpu.vector_store %arg5[%swap3A_14, %swap3A_15], %slice3A {strides = array<i32>} : memref<512x128xf32, #tpu.memory_space<vmem>>, vector<512x128xf32>,
    %slice3A_17 = vector.extract_strided_slice %mul3A_12 {offsets = [0, 128], sizes = [512, 128], strides = [1, 1]} : vector<512x256xf32> to vector<512x128xf32>
    %swap3A_18 = arith.constant 0 : index
    %swap3A_19 = arith.constant 0 : index
    %swap3A_20 = vector.load %arg6[%swap3A_18, %swap3A_19] : memref<512x128xf32, #tpu.memory_space<vmem>>, vector<512x128xf32>
    tpu.vector_store %arg6[%swap3A_18, %swap3A_19], %slice3A_17 {strides = array<i32>} : memref<512x128xf32, #tpu.memory_space<vmem>>, vector<512x128xf32>,
    return
  }
  func.func @transform_0(%arg0: i32) -> (i32, i32) {
    %c0_i32 = arith.constant 0 : i32
    %c0_i32_0 = arith.constant 0 : i32
    return %c0_i32, %arg0 : i32, i32
  }
  func.func @transform_1(%arg0: i32) -> (i32, i32) {
    %c0_i32 = arith.constant 0 : i32
    %c0_i32_0 = arith.constant 0 : i32
    return %arg0, %c0_i32 : i32, i32
  }
  func.func @transform_2(%arg0: i32) -> (i32, i32) {
    %c0_i32 = arith.constant 0 : i32
    %c0_i32_0 = arith.constant 0 : i32
    %c0_i32_1 = arith.constant 0 : i32
    return %c0_i32, %c0_i32_0 : i32, i32
  }
  func.func @transform_3(%arg0: i32) -> i32 {
    %c0_i32 = arith.constant 0 : i32
    return %arg0 : i32
  }
  func.func @transform_4(%arg0: i32) -> (i32, i32) {
    %c0_i32 = arith.constant 0 : i32
    %c0_i32_0 = arith.constant 0 : i32
    return %arg0, %c0_i32 : i32, i32
  }
  func.func @transform_5(%arg0: i32) -> (i32, i32) {
    %c0_i32 = arith.constant 0 : i32
    %c0_i32_0 = arith.constant 0 : i32
    return %arg0, %c0_i32 : i32, i32
  }
}

module attributes {stable_mosaic.version = 14 : i64} {
  func.func @_tc2_body(%arg0: i32, %arg1: memref<512x128xf32, #tpu.memory_space<vmem>>, %arg2: memref<512x128xf32, #tpu.memory_space<vmem>>, %arg3: memref<512x128xf32, #tpu.memory_space<vmem>>, %arg4: memref<512x128xf32, #tpu.memory_space<vmem>>, %arg5: memref<512xf32, #tpu.memory_space<vmem>>, %arg6: memref<32x512xf32, #tpu.memory_space<vmem>>, %arg7: memref<256xf32, #tpu.memory_space<vmem>>, %arg8: memref<256x256xf32, #tpu.memory_space<vmem>>, %arg9: memref<256xf32, #tpu.memory_space<vmem>>, %arg10: memref<256x64xf32, #tpu.memory_space<vmem>>, %arg11: memref<64xf32, #tpu.memory_space<vmem>>, %arg12: memref<1x64xf32, #tpu.memory_space<vmem>>, %arg13: memref<256xf32, #tpu.memory_space<vmem>>) attributes {dimension_semantics = [#tpu.dimension_semantics<arbitrary>], iteration_bounds = array<i64: 20>, scalar_prefetch = 0 : i64, scratch_operands = 1 : i64, tpu.core_type = #tpu.core_type<tc>, window_params = [{transform_indices = @transform_0, window_bounds = array<i64: 512, 128>}, {transform_indices = @transform_1, window_bounds = array<i64: 512, 128>}, {transform_indices = @transform_2, window_bounds = array<i64: 512, 128>}, {transform_indices = @transform_3, window_bounds = array<i64: 512, 128>}, {transform_indices = @transform_4, window_bounds = array<i64: 512>}, {transform_indices = @transform_5, window_bounds = array<i64: 32, 512>}, {pipeline_mode = #tpu.pipeline_mode<synchronous>, transform_indices = @transform_6, window_bounds = array<i64: 256>}, {pipeline_mode = #tpu.pipeline_mode<synchronous>, transform_indices = @transform_7, window_bounds = array<i64: 256, 256>}, {pipeline_mode = #tpu.pipeline_mode<synchronous>, transform_indices = @transform_8, window_bounds = array<i64: 256>}, {pipeline_mode = #tpu.pipeline_mode<synchronous>, transform_indices = @transform_9, window_bounds = array<i64: 256, 64>}, {pipeline_mode = #tpu.pipeline_mode<synchronous>, transform_indices = @transform_10, window_bounds = array<i64: 64>}, {pipeline_mode = #tpu.pipeline_mode<synchronous>, transform_indices = @transform_11, window_bounds = array<i64: 1, 64>}]} {
    %get3A = arith.constant 0 : index
    %get3A_0 = arith.constant 0 : index
    %get3A_1 = vector.load %arg6[%get3A, %get3A_0] : memref<32x512xf32, #tpu.memory_space<vmem>>, vector<32x512xf32>
    %reduce_sum3A = arith.constant dense<0.000000e+00> : vector<512xf32>
    %reduce_sum3A_2 = vector.multi_reduction <add>, %get3A_1, %reduce_sum3A [0] : vector<32x512xf32> to vector<512xf32>
    %get3A_3 = arith.constant 0 : index
    %get3A_4 = vector.load %arg5[%get3A_3] : memref<512xf32, #tpu.memory_space<vmem>>, vector<512xf32>
    %iota3A = tpu.iota {dimensions = array<i32: 1>} : vector<1x512xi32>
    %iota3A_5 = vector.shape_cast %iota3A : vector<1x512xi32> to vector<512xi32>
    %mul3A = arith.constant 512 : i32
    %mul3A_6 = arith.muli %arg0, %mul3A : i32
    %add3A = vector.broadcast %mul3A_6 : i32 to vector<512xi32>
    %add3A_7 = arith.addi %iota3A_5, %add3A : vector<512xi32>
    %lt3A = arith.constant 10000 : i32
    %lt3A_8 = vector.broadcast %lt3A : i32 to vector<512xi32>
    %lt3A_9 = arith.cmpi slt, %add3A_7, %lt3A_8 : vector<512xi32>
    %add3A_10 = arith.addf %get3A_4, %reduce_sum3A_2 : vector<512xf32>
    %mul3A_11 = arith.mulf %get3A_4, %add3A_10 : vector<512xf32>
    %jit3A = arith.constant 0.000000e+00 : f32
    %broadcast_in_dim3A = vector.broadcast %jit3A : f32 to vector<512xf32>
    %select_n3A = arith.select %lt3A_9, %mul3A_11, %broadcast_in_dim3A : vector<512xi1>, vector<512xf32>
    %get3A_12 = arith.constant 0 : index
    %get3A_13 = arith.constant 0 : index
    %get3A_14 = vector.load %arg1[%get3A_12, %get3A_13] : memref<512x128xf32, #tpu.memory_space<vmem>>, vector<512x128xf32>
    %get3A_15 = arith.constant 0 : index
    %get3A_16 = arith.constant 0 : index
    %get3A_17 = vector.load %arg2[%get3A_15, %get3A_16] : memref<512x128xf32, #tpu.memory_space<vmem>>, vector<512x128xf32>
    %concatenate3A = tpu.concatenate %get3A_14, %get3A_17 in 1 : vector<512x128xf32>, vector<512x128xf32> -> vector<512x256xf32>
    %get3A_18 = arith.constant 0 : index
    %get3A_19 = arith.constant 0 : index
    %get3A_20 = vector.load %arg3[%get3A_18, %get3A_19] : memref<512x128xf32, #tpu.memory_space<vmem>>, vector<512x128xf32>
    %get3A_21 = arith.constant 0 : index
    %get3A_22 = arith.constant 0 : index
    %get3A_23 = vector.load %arg4[%get3A_21, %get3A_22] : memref<512x128xf32, #tpu.memory_space<vmem>>, vector<512x128xf32>
    %concatenate3A_24 = tpu.concatenate %get3A_20, %get3A_23 in 1 : vector<512x128xf32>, vector<512x128xf32> -> vector<512x256xf32>
    %broadcast_in_dim3A_25 = vector.shape_cast %get3A_4 : vector<512xf32> to vector<512x1xf32>
    %add3A_26 = arith.addf %concatenate3A, %concatenate3A_24 : vector<512x256xf32>
    %mul3A_27 = vector.broadcast %broadcast_in_dim3A_25 : vector<512x1xf32> to vector<512x256xf32>
    %mul3A_28 = arith.mulf %mul3A_27, %add3A_26 : vector<512x256xf32>
    %get3A_29 = arith.constant 0 : index
    %get3A_30 = vector.load %arg7[%get3A_29] : memref<256xf32, #tpu.memory_space<vmem>>, vector<256xf32>
    %broadcast_in_dim3A_31 = vector.shape_cast %get3A_30 : vector<256xf32> to vector<1x256xf32>
    %add3A_32 = vector.broadcast %broadcast_in_dim3A_31 : vector<1x256xf32> to vector<512x256xf32>
    %add3A_33 = arith.addf %mul3A_28, %add3A_32 : vector<512x256xf32>
    %max3A = arith.constant 0.000000e+00 : f32
    %max3A_34 = vector.broadcast %max3A : f32 to vector<512x256xf32>
    %max3A_35 = arith.maximumf %add3A_33, %max3A_34 : vector<512x256xf32>
    %broadcast_in_dim3A_36 = vector.shape_cast %select_n3A : vector<512xf32> to vector<512x1xf32>
    %mul3A_37 = vector.broadcast %broadcast_in_dim3A_36 : vector<512x1xf32> to vector<512x256xf32>
    %mul3A_38 = arith.mulf %max3A_35, %mul3A_37 : vector<512x256xf32>
    %reduce_sum3A_39 = arith.constant dense<0.000000e+00> : vector<256xf32>
    %reduce_sum3A_40 = vector.multi_reduction <add>, %mul3A_38, %reduce_sum3A_39 [0] : vector<512x256xf32> to vector<256xf32>
    %eq3A = arith.constant 0 : i32
    %eq3A_41 = arith.cmpi eq, %arg0, %eq3A : i32
    %convert_element_type3A = arith.extui %eq3A_41 : i1 to i32
    %cond3A = arith.constant 0 : i32
    %cond3A_42 = arith.cmpi ne, %convert_element_type3A, %cond3A : i32
    scf.if %cond3A_42 {
      %swap3A = arith.constant 0 : index
      %swap3A_52 = vector.load %arg13[%swap3A] : memref<256xf32, #tpu.memory_space<vmem>>, vector<256xf32>
      tpu.vector_store %arg13[%swap3A], %reduce_sum3A_40 {strides = array<i32>} : memref<256xf32, #tpu.memory_space<vmem>>, vector<256xf32>,
    } else {
    }
    %gt3A = arith.constant 0 : i32
    %gt3A_43 = arith.cmpi sgt, %arg0, %gt3A : i32
    %convert_element_type3A_44 = arith.extui %gt3A_43 : i1 to i32
    %cond3A_45 = arith.constant 0 : i32
    %cond3A_46 = arith.cmpi ne, %convert_element_type3A_44, %cond3A_45 : i32
    scf.if %cond3A_46 {
      %get3A_52 = arith.constant 0 : index
      %get3A_53 = vector.load %arg13[%get3A_52] : memref<256xf32, #tpu.memory_space<vmem>>, vector<256xf32>
      %add3A_54 = arith.addf %get3A_53, %reduce_sum3A_40 : vector<256xf32>
      %swap3A = arith.constant 0 : index
      %swap3A_55 = vector.load %arg13[%swap3A] : memref<256xf32, #tpu.memory_space<vmem>>, vector<256xf32>
      tpu.vector_store %arg13[%swap3A], %add3A_54 {strides = array<i32>} : memref<256xf32, #tpu.memory_space<vmem>>, vector<256xf32>,
    } else {
    }
    %eq3A_47 = arith.constant 19 : i32
    %eq3A_48 = arith.cmpi eq, %arg0, %eq3A_47 : i32
    %convert_element_type3A_49 = arith.extui %eq3A_48 : i1 to i32
    %cond3A_50 = arith.constant 0 : i32
    %cond3A_51 = arith.cmpi ne, %convert_element_type3A_49, %cond3A_50 : i32
    scf.if %cond3A_51 {
      %get3A_52 = arith.constant 0 : index
      %get3A_53 = vector.load %arg13[%get3A_52] : memref<256xf32, #tpu.memory_space<vmem>>, vector<256xf32>
      %mul3A_54 = arith.constant 9.99999974E-5 : f32
      %mul3A_55 = vector.broadcast %mul3A_54 : f32 to vector<256xf32>
      %mul3A_56 = arith.mulf %get3A_53, %mul3A_55 : vector<256xf32>
      %broadcast_in_dim3A_57 = vector.shape_cast %mul3A_56 : vector<256xf32> to vector<1x256xf32>
      %get3A_58 = arith.constant 0 : index
      %get3A_59 = arith.constant 0 : index
      %get3A_60 = vector.load %arg8[%get3A_58, %get3A_59] : memref<256x256xf32, #tpu.memory_space<vmem>>, vector<256x256xf32>
      %dot_general3A = arith.constant dense<0.000000e+00> : vector<1x256xf32>
      %dot_general3A_61 = tpu.matmul %broadcast_in_dim3A_57, %get3A_60, %dot_general3A {dimension_numbers = #tpu.dot_dimension_numbers<[1], [0], [0], [1], [0, 0, 1, 1], [], []>, transpose_lhs_hint = false} : vector<1x256xf32>, vector<256x256xf32>, vector<1x256xf32> -> vector<1x256xf32>
      %get3A_62 = arith.constant 0 : index
      %get3A_63 = vector.load %arg9[%get3A_62] : memref<256xf32, #tpu.memory_space<vmem>>, vector<256xf32>
      %broadcast_in_dim3A_64 = vector.shape_cast %get3A_63 : vector<256xf32> to vector<1x256xf32>
      %add3A_65 = arith.addf %dot_general3A_61, %broadcast_in_dim3A_64 : vector<1x256xf32>
      %get3A_66 = arith.constant 0 : index
      %get3A_67 = arith.constant 0 : index
      %get3A_68 = vector.load %arg10[%get3A_66, %get3A_67] : memref<256x64xf32, #tpu.memory_space<vmem>>, vector<256x64xf32>
      %dot_general3A_69 = arith.constant dense<0.000000e+00> : vector<1x64xf32>
      %dot_general3A_70 = tpu.matmul %add3A_65, %get3A_68, %dot_general3A_69 {dimension_numbers = #tpu.dot_dimension_numbers<[1], [0], [0], [1], [0, 0, 1, 1], [], []>, transpose_lhs_hint = false} : vector<1x256xf32>, vector<256x64xf32>, vector<1x64xf32> -> vector<1x64xf32>
      %get3A_71 = arith.constant 0 : index
      %get3A_72 = vector.load %arg11[%get3A_71] : memref<64xf32, #tpu.memory_space<vmem>>, vector<64xf32>
      %broadcast_in_dim3A_73 = vector.shape_cast %get3A_72 : vector<64xf32> to vector<1x64xf32>
      %add3A_74 = arith.addf %dot_general3A_70, %broadcast_in_dim3A_73 : vector<1x64xf32>
      %swap3A = arith.constant 0 : index
      %swap3A_75 = arith.constant 0 : index
      %swap3A_76 = vector.load %arg12[%swap3A, %swap3A_75] : memref<1x64xf32, #tpu.memory_space<vmem>>, vector<1x64xf32>
      tpu.vector_store %arg12[%swap3A, %swap3A_75], %add3A_74 {strides = array<i32>} : memref<1x64xf32, #tpu.memory_space<vmem>>, vector<1x64xf32>,
    } else {
    }
    return
  }
  func.func @transform_0(%arg0: i32) -> (i32, i32) {
    %c0_i32 = arith.constant 0 : i32
    %c0_i32_0 = arith.constant 0 : i32
    return %arg0, %c0_i32 : i32, i32
  }
  func.func @transform_1(%arg0: i32) -> (i32, i32) {
    %c0_i32 = arith.constant 0 : i32
    %c0_i32_0 = arith.constant 0 : i32
    return %arg0, %c0_i32 : i32, i32
  }
  func.func @transform_2(%arg0: i32) -> (i32, i32) {
    %c0_i32 = arith.constant 0 : i32
    %c0_i32_0 = arith.constant 0 : i32
    return %arg0, %c0_i32 : i32, i32
  }
  func.func @transform_3(%arg0: i32) -> (i32, i32) {
    %c0_i32 = arith.constant 0 : i32
    %c0_i32_0 = arith.constant 0 : i32
    return %arg0, %c0_i32 : i32, i32
  }
  func.func @transform_4(%arg0: i32) -> i32 {
    %c0_i32 = arith.constant 0 : i32
    return %arg0 : i32
  }
  func.func @transform_5(%arg0: i32) -> (i32, i32) {
    %c0_i32 = arith.constant 0 : i32
    %c0_i32_0 = arith.constant 0 : i32
    return %c0_i32, %arg0 : i32, i32
  }
  func.func @transform_6(%arg0: i32) -> i32 {
    %c0_i32 = arith.constant 0 : i32
    %c0_i32_0 = arith.constant 0 : i32
    return %c0_i32 : i32
  }
  func.func @transform_7(%arg0: i32) -> (i32, i32) {
    %c0_i32 = arith.constant 0 : i32
    %c0_i32_0 = arith.constant 0 : i32
    %c0_i32_1 = arith.constant 0 : i32
    return %c0_i32, %c0_i32_0 : i32, i32
  }
  func.func @transform_8(%arg0: i32) -> i32 {
    %c0_i32 = arith.constant 0 : i32
    %c0_i32_0 = arith.constant 0 : i32
    return %c0_i32 : i32
  }
  func.func @transform_9(%arg0: i32) -> (i32, i32) {
    %c0_i32 = arith.constant 0 : i32
    %c0_i32_0 = arith.constant 0 : i32
    %c0_i32_1 = arith.constant 0 : i32
    return %c0_i32, %c0_i32_0 : i32, i32
  }
  func.func @transform_10(%arg0: i32) -> i32 {
    %c0_i32 = arith.constant 0 : i32
    %c0_i32_0 = arith.constant 0 : i32
    return %c0_i32 : i32
  }
  func.func @transform_11(%arg0: i32) -> (i32, i32) {
    %c0_i32 = arith.constant 0 : i32
    %c0_i32_0 = arith.constant 0 : i32
    %c0_i32_1 = arith.constant 0 : i32
    return %c0_i32, %c0_i32_0 : i32, i32
  }
}

</mosaic_0001>

<sc_bundles>
// kernel: kernel.10.cloned.1.call-start
scs
__scs_entry_jumppad:
0x0: {  	(pc) =	sbr.rel $0x88, $3  }
0x1: {  	(tag) =	ssettag $0x0;
	lr =	simm.s32 $0x1  }
0x2: {  	[smem:$0x3F99] =	sst lr;
	_ =	strace $0xD0000000  }
0x3: {  	_ = 	snop  }
0x4: {  	_ = 	snop  }
0x5: {  	_ = 	snop  }
0x6: {  	_ = 	snop  }
0x7: {  	_ = 	snop  }
__scs_overlays_trampoline_lowered:
0x8: {  	[smem:$0x3FA8] =	sst s0  }
0x9: {  	[smem:$0x3FA9] =	sst s1  }
0xa: {  	[smem:$0x3FAA] =	sst s2  }
0xb: {  	[smem:$0x3FAB] =	sst s3  }
0xc: {  	[smem:$0x3FAC] =	sst s4  }
0xd: {  	[smem:$0x3FAD] =	sst s5  }
0xe: {  	[smem:$0x3FAE] =	sst s6  }
0xf: {  	[smem:$0x3FAF] =	sst s7  }
0x10: {  	[smem:$0x3FB0] =	sst s8  }
0x11: {  	[smem:$0x3FB1] =	sst s9;
	s0 =	simm.s32 @!p0 $0x0  }
0x12: {  	s1 =	sld [smem:$0x3F97];
	s0 =	simm.s32 @p0 $0x1  }
0x13: {  	[smem:$0x3FB2] =	sst s0;
	s0 =	simm.s32 @!p1 $0x0  }
0x14: {  	s2 =	sld [smem:$0x3F96];
	s0 =	simm.s32 @p1 $0x1  }
0x15: {  	[smem:$0x3FB3] =	sst s0;
	s0 =	simm.s32 @!p2 $0x0  }
0x16: {  	s3 =	sld [smem:$0x3FDB];
	s0 =	simm.s32 @p2 $0x1  }
0x17: {  	s4 =	simm.s32 $0x1BF5;
	[smem:$0x3FB5] =	sst s0  }
0x18: {  	s0 =	sld [smem:$0x3F98];
	_ =	swait.ge [sflag:s4], $0x0  }
0x19: {  	s7 =	sld [smem:$0x3F99]  }
0x1a: {  	s8 =	sadd.s32 $0xFFFFE003, lr  }
0x1b: {  	s9 =	sadd.s32 $0xFFFFFEF7, lr;
	s5 =	simm.s32 $0xFFFFFFFF;
	p2 =	slt.u32 s8, $0xFFFFF086  }
0x1c: {  	p1 =	slt.u32 s9, $0xF7A;
	s5 =	simm.s32 @!p2 $0x0  }
0x1d: {  	s5 =	simm.s32 @p1 $0x1;
	p0 =	seq.s32 s7, s2  }
0x1e: {  	s7 =	smul.u32 @!p0 $0xF7A, s2;
	p2 =	seq.s32 @!p0 s5, $0x0  }
0x1f: {  	s9 =	smul.u32 $0xF7A, s1;
	s8 =	simm.s32 @!p0 $0x1BF5;
	p2 =	por !p2, p0  }
0x20: {  	[sflag:s8] =	ssyncset.s32 @!p0 $0xFFFFF086;
	s6 =	sadd.s32 @!p0 s3, s7;
	s7 =	simm.s32 @!p0 $0x108  }
0x21: {  	s3 =	sadd.s32 s3, s9;
	s6 =	sadd.s32 @!p0 $0x88, s6;
	s7 =	simm.s32 @p2 $0x1082  }
0x22: {  	[simem:s7], [sflag:s8] =	dma.local @!p0 [hbm:s6], $0xF7A  }
0x23: {  	s9 =	sor.u32 $0xD0000000, s2;
	s6 =	simm.s32 $0x108;
	_ =	swait.ge @!p0 [sflag:s8], $0x0  }
0x24: {  	s3 =	sadd.s32 $0x88, s3;
	s6 =	simm.s32 @!p1 $0x1082;
	[sflag:s4] =	ssyncset.s32 $0xFFFFF086  }
0x25: {  	[simem:s6], [sflag:s4] =	dma.local [hbm:s3], $0xF7A  }
0x26: {  	[smem:$0x3F99] =	sst s1;
	(tag) =	ssettag s2;
	_ =	strace s9  }
0x27: {  	s1 =	sld [smem:$0x3FA9]  }
0x28: {  	s2 =	sld [smem:$0x3FAA]  }
0x29: {  	s4 =	sld [smem:$0x3FAC]  }
0x2a: {  	p0 =	seq.s32 s5, $0x0;
	s5 =	sld [smem:$0x3FAD]  }
0x2b: {  	s6 =	sld [smem:$0x3FAE]  }
0x2c: {  	s7 =	sld [smem:$0x3FAF]  }
0x2d: {  	s3 =	simm.s32 $0x108;
	s8 =	sld [smem:$0x3FB0]  }
0x2e: {  	s3 =	simm.s32 @!p0 $0x1082;
	s9 =	sld [smem:$0x3FB1]  }
0x2f: {  	lr =	sadd.s32 s0, s3;
	s0 =	sld [smem:$0x3FA8]  }
0x30: {  	s3 =	sld [smem:$0x3FAB]  }
0x31: {  	[smem:$0x3FB4] =	sst s10  }
0x32: {  	s10 =	sld [smem:$0x3FB2];
	_ =	sdelay $0x3  }
0x33: {  	p0 =	seq.s32 s10, $0x1;
	s10 =	sld [smem:$0x3FB4];
	_ =	sdelay $0x3  }
0x34: {  	[smem:$0x3FB4] =	sst s10  }
0x35: {  	s10 =	sld [smem:$0x3FB3];
	_ =	sdelay $0x3  }
0x36: {  	p1 =	seq.s32 s10, $0x1;
	s10 =	sld [smem:$0x3FB4];
	_ =	sdelay $0x3  }
0x37: {  	[smem:$0x3FB4] =	sst s10  }
0x38: {  	s10 =	sld [smem:$0x3FB5]  }
0x39: {  	_ = 	snop;
	(pc) =	sbr.ind lr, $3  }
0x3a: {  	_ = 	snop  }
0x3b: {  	_ = 	snop  }
0x3c: {  	p2 =	seq.s32 s10, $0x1;
	s10 =	sld [smem:$0x3FB4]  }
0x3d: {  	_ =	shalt  }
0x3e: {  	_ =	shalt  }
0x3f: {  	_ =	shalt  }
0x40: {  	_ =	shalt  }
0x41: {  	_ =	shalt  }
0x42: {  	_ =	shalt  }
0x43: {  	_ =	shalt  }
0x44: {  	_ =	shalt  }
0x45: {  	_ =	shalt  }
0x46: {  	_ =	shalt  }
0x47: {  	_ =	shalt  }
0x48: {  	_ =	shalt  }
0x49: {  	_ =	shalt  }
0x4a: {  	_ =	shalt  }
0x4b: {  	_ =	shalt  }
0x4c: {  	_ =	shalt  }
0x4d: {  	_ =	shalt  }
0x4e: {  	_ =	shalt  }
0x4f: {  	_ =	shalt  }
0x50: {  	_ =	shalt  }
0x51: {  	_ =	shalt  }
0x52: {  	_ =	shalt  }
0x53: {  	_ =	shalt  }
0x54: {  	_ =	shalt  }
0x55: {  	_ =	shalt  }
0x56: {  	_ =	shalt  }
0x57: {  	_ =	shalt  }
0x58: {  	_ =	shalt  }
0x59: {  	_ =	shalt  }
0x5a: {  	_ =	shalt  }
0x5b: {  	_ =	shalt  }
0x5c: {  	_ =	shalt  }
0x5d: {  	_ =	shalt  }
0x5e: {  	_ =	shalt  }
0x5f: {  	_ =	shalt  }
0x60: {  	_ =	shalt  }
0x61: {  	_ =	shalt  }
0x62: {  	_ =	shalt  }
0x63: {  	_ =	shalt  }
0x64: {  	_ =	shalt  }
0x65: {  	_ =	shalt  }
0x66: {  	_ =	shalt  }
0x67: {  	_ =	shalt  }
0x68: {  	_ =	shalt  }
0x69: {  	_ =	shalt  }
0x6a: {  	_ =	shalt  }
0x6b: {  	_ =	shalt  }
0x6c: {  	_ =	shalt  }
0x6d: {  	_ =	shalt  }
0x6e: {  	_ =	shalt  }
0x6f: {  	_ =	shalt  }
0x70: {  	_ =	shalt  }
0x71: {  	_ =	shalt  }
0x72: {  	_ =	shalt  }
0x73: {  	_ =	shalt  }
0x74: {  	_ =	shalt  }
0x75: {  	_ =	shalt  }
0x76: {  	_ =	shalt  }
0x77: {  	_ =	shalt  }
0x78: {  	_ =	shalt  }
0x79: {  	_ =	shalt  }
0x7a: {  	_ =	shalt  }
0x7b: {  	_ =	shalt  }
0x7c: {  	_ =	shalt  }
0x7d: {  	_ =	shalt  }
0x7e: {  	_ =	shalt  }
0x7f: {  	_ =	shalt  }
0x80: {  	_ =	shalt  }
0x81: {  	_ =	shalt  }
0x82: {  	_ =	shalt  }
0x83: {  	_ =	shalt  }
0x84: {  	_ =	shalt  }
0x85: {  	_ =	shalt  }
0x86: {  	_ =	shalt  }
0x87: {  	_ =	shalt  }
.Lfunc_end0:
.L_simem_size_0:
called_computation.1_lowered:
.L_overlay_start_0:
0x88: {  	s2 =	sld [smem:$0x3FD9]  }
0x89: {  	s3 =	sld [smem:$0x3FFE];
	_ =	sdelay $0x1  }
0x8a: {  	s1 =	srdreg.scid  }
0x8b: {  	s0 =	sand.u32 $0x1, s1  }
0x8c: {  	s16 =	sshll.u32 s0, $0xA;
	s2 =	sadd.s32 s3, s2  }
0x8d: {  	s2 =	sadd.s32 s2, s16  }
0x8e: {  	[smem:$0x3FC0] =	sst s2  }
0x8f: {  	_ = 	snop  }
0x90: {  	(tm) =	ssettm $0x1  }
0x91: {  	s17 =	sld [smem:$0x3FFB];
	_ =	sdelay $0x3  }
0x92: {  	_ =	strace s17  }
0x93: {  	s2 =	sld [smem:$0x3FFC];
	_ =	sdelay $0x3  }
0x94: {  	_ =	strace s2  }
0x95: {  	s2 =	sld [smem:$0x3FFD];
	_ =	sdelay $0x3  }
0x96: {  	_ =	strace s2  }
0x97: {  	_ =	strace $0x8FFFFFFF  }
0x98: {  	s18 =	sld [smem:$0x3FDB];
	_ =	sdelay $0x1  }
0x99: {  	s19 =	simm.s32 $_scs_section_size  }
0x9a: {  	s4 =	simm.s32 $_size__tile_overlayer_lowered;
	s5 =	simm.s32 $_tile_overlayer_lowered  }
0x9b: {  	s22 =	simm.s32 $0x1BFF;
	s21 =	sshll.u32 s5, $0x1;
	s2 =	sadd.s32 s19, s18  }
0x9c: {  	s6 =	simm.s32 $0x0;
	s20 =	sshll.u32 s4, $0x1;
	s4 =	sadd.s32 s21, s2  }
0x9d: {  	[timem:s6], [sflag:s22] =	dma.local [hbm:s4], s20  }
0x9e: {  	_ =	swait.ge [sflag:s22], s20  }
0x9f: {  	s3 =	ssub.s32 $0x0, s20;
	[sflag:s22] =	ssyncset.done $0x0  }
0xa0: {  	[sflag:s22] =	ssyncadd.s32 s3;
	_ =	sdelay $0x1  }
0xa1: {  	s23 =	simm.s32 $0x1B8B  }
0xa2: {  	_ =	swait.ge [sflag:s23], $0x1  }
0xa3: {  	[sflag:s23] =	ssyncset.done $0x0  }
0xa4: {  	s25 =	simm.s32 $0x1B8E;
	s24 =	sld [smem:$0x3FFE];
	[sflag:s23] =	ssyncadd.s32 $0xFFFFFFFF  }
0xa5: {  	s26 =	simm.s32 $execute0_lowered;
	[smem:$0x3FD2] =	sst s25  }
0xa6: {  	s4 =	sshll.u32 s26, $0x1;
	_ =	strace $0x80000049;
	[dreg:$0x1] =	wrdreg $0xFFFFFFFF  }
0xa7: {  	s28 =	simm.s32 $_size_execute0_lowered;
	s2 =	sadd.s32 s2, s4;
	[dreg:$0x0] =	wrdreg $0x0  }
0xa8: {  	s4 =	sshll.u32 s28, $0x1;
	[dreg:$0x2] =	wrdreg s2  }
0xa9: {  	[dreg:$0x3] =	wrdreg s4  }
0xaa: {  	[dreg:$0x4] =	wrdreg $0xC0  }
0xab: {  	_ =	task [dreg:s6], $0x5FFFF  }
0xac: {  	[dreg:$0x1] =	wrdreg $0xFFFFFFFF  }
0xad: {  	[dreg:$0x0] =	wrdreg $0x60  }
0xae: {  	[dreg:$0x2] =	wrdreg s24  }
0xaf: {  	[dreg:$0x3] =	wrdreg $0xA9000  }
0xb0: {  	[dreg:$0x4] =	wrdreg $0x9  }
0xb1: {  	_ =	task.clear_ibuf [dreg:s6], $0x5FFFF;
	_ =	strace $0x90000049  }
0xb2: {  	s29 =	simm.s32 $0x9;
	_ =	strace $0x8000004B  }
0xb3: {  	_ =	swait.ge [sflag:s29], $0x1  }
0xb4: {  	[sflag:s29] =	ssyncadd.s32 $0xFFFFFFFF  }
0xb5: {  	_ =	strace $0x9000004B  }
0xb6: {  	_ =	sfence  }
0xb7: {  	s30 =	sld [smem:$0x0];
	_ =	sdelay $0x2  }
0xb8: {  	s31 =	sshll.u32 s1, $0xD;
	s1 =	sshrl.u32 s1, $0x2  }
0xb9: {  	s3 =	sand.u32 $0x4000, s31;
	s1 =	sadd.s32 s1, s30  }
0xba: {  	s0 =	sor.u32 s3, s0;
	s1 =	sshll.u32 s1, $0x11  }
0xbb: {  	s0 =	sor.u32 s1, s0  }
0xbc: {  	s0 =	sadd.s32 $0x8F2B, s0  }
0xbd: {  	[sflag:s0] =	ssyncadd.remote.s32 $0x1  }
0xbe: {  	_ =	sfence.sel $0xFFFF  }
0xbf: {  	[dreg:$0x0] =	wrdreg $0xFFFFFFFF;
	(pc) =	sbr.abs _section_cstart, $3  }
0xc0: {  	[dreg:$0x1] =	wrdreg $0xFFFFFFFF  }
0xc1: {  	_ =	task.clear_ibuf [dreg:s6], $0x2FFFF;
	_ =	strace $0x9FFFFFFF  }
0xc2: {  	(tm) =	ssettm $0x7FFFFFFF  }
0xc3: {  	_ =	shalt  }
tec
execute0_lowered:
.L_overlay_start_1:
0x0: {  	(tag) =	ssettag $0x1  }
0x1: {  	s10 =	rddreg [dreg:$0x0]  }
0x2: {  	s2 =	rddreg [dreg:$0x1]  }
0x3: {  	s3 =	simm.s32 $0x0;
	s0 =	stileid.u32;
	s7 =	srdreg.scid  }
0x4: {  	s18 =	simm.s32 $0xA800;
	s19 =	simm.s32 $0xA880;
	s20 =	simm.s32 $0x80  }
0x5: {  	s21 =	simm.s32 $0x2800;
	s22 =	simm.s32 $0x6800;
	s23 =	simm.s32 $0x1  }
0x6: {  	s24 =	simm.s32 $0x3;
	s25 =	simm.s32 $0x2;
	s26 =	simm.s32 $0x4  }
0x7: {  	s28 =	simm.s32 $0x0;
	[smem:$0x7FF] =	sst s3;
	s4 =	smul.u32 $0x2800, s0  }
0x8: {  	s5 =	sadd.s32 $0x17800, s10;
	s6 =	sadd.s32 $0x3F800, s10;
	s13 =	sand.u32 $0x1, s7  }
0x9: {  	s7 =	sadd.s32 $0x3800, s10;
	s8 =	sadd.s32 $0x8E00, s10;
	s16 =	smul.u32 $0x50000, s0  }
0xa: {  	s1 =	sadd.s32 $0x67800, s10;
	s31 =	sshll.u32 s0, $0x6;
	_ =	strace $0x8000004A  }
0xb: {  	s14 =	ssub.s32 $0x2, s13;
	[dreg:$0x3] =	wrdreg s1;
	p0 =	seq.s32 s13, $0x1  }
.Ltmp0:
0xc: {  	s12 =	sshrl.u32 s4, $0x3;
	s15 =	sshrl.u32 s14, $0x1;
	(pc) =	sbr.rel .LBB2_1-.Ltmp0, $4  }
0xd: {  	s30 =	sshrl.u32 s16, $0x2;
	s16 =	sor.u32 $0x1C05, s31;
	s11 =	sadd.s32 s12, s10  }
0xe: {  	s10 =	sadd.s32 $0x8F800, s10;
	s14 =	ssub.s32 s14, s15;
	s12 =	sadd.s32 s7, s12  }
0xf: {  	s17 =	sadd.s32 s30, s2;
	s15 =	simm.s32 $0x5;
	s11 =	sadd.s32 $0x12800, s11  }
0x10: {  	s13 =	sadd.s32 $0x10, s12;
	s14 =	smax.u32 s14, $0x1;
	s17 =	sshrl.u32 s17, $0x3  }
.LBB2_7:
0x11: {  	[tilespmem:s22], [sflag:$0x2] =	stream.indirect.gather [hbm4b:s6+s20], $0x80, s30, s20, $0xb8;
	[tilespmem:$0x1E900] =	vst v63  }
0x12: {  	s29 =	smov.u32 s10  }
.LBB2_8:
0x13: {  	_ =	swait.ge [sflag:s23], $0x4000  }
0x14: {  	[sflag:s23] =	ssyncset.done $0x0  }
0x15: {  	[sflag:s23] =	ssyncadd.s32 $0xFFFFC000  }
0x16: {  	_ =	swait.ge [sflag:s24], $0x80  }
0x17: {  	[sflag:s24] =	ssyncset.done $0x0  }
0x18: {  	[sflag:s24] =	ssyncadd.s32 $0xFFFFFF80  }
0x19: {  	[spmem:s2] =	stream.indirect.scatter.add.f32 [tilespmem:s21], [sflag:$0x5], $0x80, s18, s20, $0xb8;
	[tilespmem:$0x1E900] =	vst v63  }
0x1a: {  	_ =	swait.ge [sflag:s15], $0x4000  }
0x1b: {  	[sflag:s15] =	ssyncset.done $0x0  }
0x1c: {  	[sflag:s15] =	ssyncadd.s32 $0xFFFFC000  }
0x1d: {  	_ =	swait.ge [sflag:s25], $0x4000  }
0x1e: {  	[sflag:s25] =	ssyncset.done $0x0  }
0x1f: {  	[sflag:s25] =	ssyncadd.s32 $0xFFFFC000  }
0x20: {  	_ =	swait.ge [sflag:s26], $0x80  }
0x21: {  	[sflag:s26] =	ssyncset.done $0x0  }
0x22: {  	[sflag:s26] =	ssyncadd.s32 $0xFFFFFF80  }
0x23: {  	[spmem:s2] =	stream.indirect.scatter.add.f32 [tilespmem:s22], [sflag:$0x5], $0x80, s19, s20, $0xb8;
	[tilespmem:$0x1E900] =	vst v63  }
0x24: {  	_ =	swait.ge [sflag:s15], $0x4000  }
0x25: {  	s28 =	sadd.s32 $0x1, s28;
	[sflag:s15] =	ssyncset.done $0x0  }
0x26: {  	p1 =	sne.s32 s28, s14;
	[sflag:s15] =	ssyncadd.s32 $0xFFFFC000  }
.Ltmp1:
0x27: {  	s0 =	sadd.s32 s29, s4;
	[bflag:$0x0] =	sbarrier.arrive $0xFFFF;
	(pc) =	sbr.rel @!p1 .LBB2_9-.Ltmp1, $4  }
0x28: {  	[hbm:s0], [sflag:s16] =	dma.local [spmem:s17], $0x2800  }
0x29: {  	_ =	swait.ge [sflag:s15], $0x2800  }
0x2a: {  	[sflag:s15] =	ssyncset.done $0x0  }
0x2b: {  	[sflag:s15] =	ssyncadd.s32 $0xFFFFD800  }
.LBB2_1:
0x2c: {  	[tilespmem:s3], [sflag:$0x5] =	stream.linear.gather [hbm4b:s11+s3], $0x2800, $0x38;
	[tilespmem:$0x1E900] =	vst v63  }
0x2d: {  	_ =	swait.ge [sflag:s15], $0x2800  }
0x2e: {  	[sflag:s15] =	ssyncset.done $0x0  }
0x2f: {  	[sflag:s15] =	ssyncadd.s32 $0xFFFFD800  }
0x30: {  	[spmem:s17], [sflag:s16] =	dma.local [hbm:s8], $0x2800  }
0x31: {  	_ =	swait.ge [sflag:s15], $0x2800  }
.Ltmp2:
0x32: {  	[sflag:s15] =	ssyncset.done $0x0;
	(pc) =	sbr.rel @!p0 .LBB2_2-.Ltmp2, $4  }
0x33: {  	[sflag:s15] =	ssyncadd.s32 $0xFFFFD800  }
0x34: {  	[tilespmem:s18], [sflag:$0x3] =	stream.linear.gather [hbm4b:s12+s3], $0x80, $0x38;
	[tilespmem:$0x1E900] =	vst v63  }
0x35: {  	_ = 	snop  }
0x36: {  	[tilespmem:s19], [sflag:$0x4] =	stream.linear.gather [hbm4b:s13+s3], $0x80, $0x38;
	[tilespmem:$0x1E900] =	vst v63  }
0x37: {  	[tilespmem:s21], [sflag:$0x1] =	stream.indirect.gather [hbm4b:s6+s20], $0x80, s3, s20, $0xb8;
	[tilespmem:$0x1E900] =	vst v63  }
0x38: {  	_ = 	snop  }
0x39: {  	[tilespmem:s22], [sflag:$0x2] =	stream.indirect.gather [hbm4b:s6+s20], $0x80, s20, s20, $0xb8;
	[tilespmem:$0x1E900] =	vst v63  }
0x3a: {  	[bflag:$0x0] =	sbarrier.arrive $0xFFFF  }
0x3b: {  	_ =	swait.ge [sflag:s23], $0x4000  }
0x3c: {  	[sflag:s23] =	ssyncset.done $0x0  }
0x3d: {  	[sflag:s23] =	ssyncadd.s32 $0xFFFFC000  }
0x3e: {  	s0 =	simm.s32 $0x100;
	_ =	swait.ge [sflag:s24], $0x80  }
0x3f: {  	s1 =	sand.u32 $0x7C00, s0;
	[sflag:s24] =	ssyncset.done $0x0  }
0x40: {  	s0 =	sand.u32 $0x300, s0;
	s1 =	sadd.s32 s4, s1;
	[sflag:s24] =	ssyncadd.s32 $0xFFFFFF80  }
0x41: {  	[spmem:s2] =	stream.indirect.scatter.add.f32 [tilespmem:s21], [sflag:$0x5], $0x80, s18, s20, $0xb8;
	[tilespmem:$0x1E900] =	vst v63  }
0x42: {  	s0 =	sor.u32 s0, s1;
	_ =	swait.ge [sflag:s15], $0x4000  }
0x43: {  	s0 =	sshrl.u32 s0, $0x3;
	[sflag:s15] =	ssyncset.done $0x0  }
0x44: {  	s0 =	sadd.s32 s7, s0;
	[sflag:s15] =	ssyncadd.s32 $0xFFFFC000  }
0x45: {  	[tilespmem:s18], [sflag:$0x3] =	stream.linear.gather [hbm4b:s0+s3], $0x80, $0x38;
	[tilespmem:$0x1E900] =	vst v63  }
0x46: {  	s1 =	simm.s32 $0x100  }
0x47: {  	[tilespmem:s21], [sflag:$0x1] =	stream.indirect.gather [hbm4b:s6+s20], $0x80, s1, s20, $0xb8;
	[tilespmem:$0x1E900] =	vst v63  }
0x48: {  	_ =	swait.ge [sflag:s25], $0x4000  }
0x49: {  	[sflag:s25] =	ssyncset.done $0x0  }
0x4a: {  	[sflag:s25] =	ssyncadd.s32 $0xFFFFC000  }
0x4b: {  	s0 =	simm.s32 $0x180;
	_ =	swait.ge [sflag:s26], $0x80  }
0x4c: {  	s9 =	sand.u32 $0x7C00, s0;
	[sflag:s26] =	ssyncset.done $0x0  }
0x4d: {  	s0 =	sand.u32 $0x380, s0;
	s1 =	sadd.s32 s4, s9;
	[sflag:s26] =	ssyncadd.s32 $0xFFFFFF80  }
0x4e: {  	[spmem:s2] =	stream.indirect.scatter.add.f32 [tilespmem:s22], [sflag:$0x5], $0x80, s19, s20, $0xb8;
	[tilespmem:$0x1E900] =	vst v63  }
0x4f: {  	s30 =	simm.s32 $0x180;
	s0 =	sor.u32 s0, s1;
	_ =	swait.ge [sflag:s15], $0x4000  }
0x50: {  	s29 =	simm.s32 $0x280;
	s0 =	sshrl.u32 s0, $0x3;
	[sflag:s15] =	ssyncset.done $0x0  }
0x51: {  	s31 =	simm.s32 $0x200;
	s0 =	sadd.s32 s7, s0;
	[sflag:s15] =	ssyncadd.s32 $0xFFFFC000  }
0x52: {  	[tilespmem:s19], [sflag:$0x4] =	stream.linear.gather [hbm4b:s0+s3], $0x80, $0x38;
	[tilespmem:$0x1E900] =	vst v63  }
.LBB2_6:
0x53: {  	s0 =	sadd.s32 $0x80, s31  }
0x54: {  	p1 =	sne.s32 s29, $0x2780;
	s1 =	smov.u32 s29;
	s29 =	sadd.s32 $0x100, s29  }
0x55: {  	[tilespmem:s22], [sflag:$0x2] =	stream.indirect.gather [hbm4b:s6+s20], $0x80, s30, s20, $0xb8;
	[tilespmem:$0x1E900] =	vst v63  }
0x56: {  	s30 =	smov.u32 s0;
	_ =	swait.ge [sflag:s23], $0x4000  }
0x57: {  	[sflag:s23] =	ssyncset.done $0x0  }
0x58: {  	[sflag:s23] =	ssyncadd.s32 $0xFFFFC000  }
0x59: {  	_ =	swait.ge [sflag:s24], $0x80  }
0x5a: {  	s0 =	sadd.s32 $0xFFFFFF80, s1;
	[sflag:s24] =	ssyncset.done $0x0  }
0x5b: {  	s9 =	sand.u32 $0x7C00, s0;
	s0 =	sand.u32 $0x300, s0;
	[sflag:s24] =	ssyncadd.s32 $0xFFFFFF80  }
0x5c: {  	[spmem:s2] =	stream.indirect.scatter.add.f32 [tilespmem:s21], [sflag:$0x5], $0x80, s18, s20, $0xb8;
	[tilespmem:$0x1E900] =	vst v63  }
0x5d: {  	s9 =	sadd.s32 s4, s9;
	_ =	swait.ge [sflag:s15], $0x4000  }
0x5e: {  	s0 =	sor.u32 s0, s9;
	[sflag:s15] =	ssyncset.done $0x0  }
0x5f: {  	s0 =	sshrl.u32 s0, $0x3;
	[sflag:s15] =	ssyncadd.s32 $0xFFFFC000  }
0x60: {  	s0 =	sadd.s32 s7, s0  }
0x61: {  	[tilespmem:s18], [sflag:$0x3] =	stream.linear.gather [hbm4b:s0+s3], $0x80, $0x38;
	[tilespmem:$0x1E900] =	vst v63  }
0x62: {  	_ = 	snop  }
0x63: {  	[tilespmem:s21], [sflag:$0x1] =	stream.indirect.gather [hbm4b:s6+s20], $0x80, s31, s20, $0xb8;
	[tilespmem:$0x1E900] =	vst v63  }
0x64: {  	_ =	swait.ge [sflag:s25], $0x4000  }
0x65: {  	[sflag:s25] =	ssyncset.done $0x0  }
0x66: {  	[sflag:s25] =	ssyncadd.s32 $0xFFFFC000  }
0x67: {  	_ =	swait.ge [sflag:s26], $0x80  }
0x68: {  	s0 =	sand.u32 $0x7C00, s1;
	[sflag:s26] =	ssyncset.done $0x0  }
0x69: {  	s1 =	sand.u32 $0x380, s1;
	s0 =	sadd.s32 s4, s0;
	[sflag:s26] =	ssyncadd.s32 $0xFFFFFF80  }
0x6a: {  	[spmem:s2] =	stream.indirect.scatter.add.f32 [tilespmem:s22], [sflag:$0x5], $0x80, s19, s20, $0xb8;
	[tilespmem:$0x1E900] =	vst v63  }
.Ltmp3:
0x6b: {  	_ = 	snop;
	(pc) =	sbr.rel @p1 .LBB2_6-.Ltmp3, $4  }
0x6c: {  	s0 =	sor.u32 s1, s0;
	_ =	swait.ge [sflag:s15], $0x4000  }
0x6d: {  	s0 =	sshrl.u32 s0, $0x3;
	[sflag:s15] =	ssyncset.done $0x0  }
0x6e: {  	s31 =	sadd.s32 $0x100, s31;
	s0 =	sadd.s32 s7, s0;
	[sflag:s15] =	ssyncadd.s32 $0xFFFFC000  }
0x6f: {  	[tilespmem:s19], [sflag:$0x4] =	stream.linear.gather [hbm4b:s0+s3], $0x80, $0x38;
	[tilespmem:$0x1E900] =	vst v63  }
.Ltmp4:
0x70: {  	_ = 	snop;
	(pc) =	sbr.rel .LBB2_7-.Ltmp4, $1  }
0x71: {  	_ =	sdelay $0x3  }
.LBB2_2:
0x72: {  	[tilespmem:s21], [sflag:$0x1] =	stream.indirect.gather [hbm4b:s5+s20], $0x80, s3, s20, $0xb8;
	[tilespmem:$0x1E900] =	vst v63  }
0x73: {  	_ = 	snop  }
0x74: {  	[tilespmem:s22], [sflag:$0x2] =	stream.indirect.gather [hbm4b:s5+s20], $0x80, s20, s20, $0xb8;
	[tilespmem:$0x1E900] =	vst v63  }
0x75: {  	[bflag:$0x0] =	sbarrier.arrive $0xFFFF  }
0x76: {  	_ =	swait.ge [sflag:s23], $0x4000  }
0x77: {  	[sflag:s23] =	ssyncset.done $0x0  }
0x78: {  	[sflag:s23] =	ssyncadd.s32 $0xFFFFC000  }
0x79: {  	s29 =	simm.s32 $0x100;
	_ =	swait.ge [sflag:s24], $0x80  }
0x7a: {  	s30 =	sand.u32 $0x7C00, s29;
	[sflag:s24] =	ssyncset.done $0x0  }
0x7b: {  	s29 =	sand.u32 $0x300, s29;
	s30 =	sadd.s32 s4, s30;
	[sflag:s24] =	ssyncadd.s32 $0xFFFFFF80  }
0x7c: {  	[spmem:s2] =	stream.indirect.scatter.add.f32 [tilespmem:s21], [sflag:$0x5], $0x80, s18, s20, $0xb8;
	[tilespmem:$0x1E900] =	vst v63  }
0x7d: {  	s29 =	sor.u32 s29, s30;
	_ =	swait.ge [sflag:s15], $0x4000  }
0x7e: {  	s29 =	sshrl.u32 s29, $0x3;
	[sflag:s15] =	ssyncset.done $0x0  }
0x7f: {  	s29 =	sadd.s32 s7, s29;
	[sflag:s15] =	ssyncadd.s32 $0xFFFFC000  }
0x80: {  	[tilespmem:s18], [sflag:$0x3] =	stream.linear.gather [hbm4b:s29+s3], $0x80, $0x38;
	[tilespmem:$0x1E900] =	vst v63  }
0x81: {  	s29 =	simm.s32 $0x100  }
0x82: {  	[tilespmem:s21], [sflag:$0x1] =	stream.indirect.gather [hbm4b:s5+s20], $0x80, s29, s20, $0xb8;
	[tilespmem:$0x1E900] =	vst v63  }
0x83: {  	_ =	swait.ge [sflag:s25], $0x4000  }
0x84: {  	[sflag:s25] =	ssyncset.done $0x0  }
0x85: {  	[sflag:s25] =	ssyncadd.s32 $0xFFFFC000  }
0x86: {  	s29 =	simm.s32 $0x180;
	_ =	swait.ge [sflag:s26], $0x80  }
0x87: {  	s30 =	sand.u32 $0x7C00, s29;
	[sflag:s26] =	ssyncset.done $0x0  }
0x88: {  	s29 =	sand.u32 $0x380, s29;
	s30 =	sadd.s32 s4, s30;
	[sflag:s26] =	ssyncadd.s32 $0xFFFFFF80  }
0x89: {  	[spmem:s2] =	stream.indirect.scatter.add.f32 [tilespmem:s22], [sflag:$0x5], $0x80, s19, s20, $0xb8;
	[tilespmem:$0x1E900] =	vst v63  }
0x8a: {  	s29 =	sor.u32 s29, s30;
	_ =	swait.ge [sflag:s15], $0x4000  }
0x8b: {  	s29 =	sshrl.u32 s29, $0x3;
	[sflag:s15] =	ssyncset.done $0x0  }
0x8c: {  	s29 =	sadd.s32 s7, s29;
	[sflag:s15] =	ssyncadd.s32 $0xFFFFC000  }
0x8d: {  	[tilespmem:s19], [sflag:$0x4] =	stream.linear.gather [hbm4b:s29+s3], $0x80, $0x38;
	[tilespmem:$0x1E900] =	vst v63  }
0x8e: {  	s31 =	simm.s32 $0x200;
	s30 =	simm.s32 $0x180;
	s29 =	simm.s32 $0x280  }
.LBB2_3:
0x8f: {  	s0 =	sadd.s32 $0x80, s31  }
0x90: {  	p1 =	seq.s32 s29, $0x2780;
	s1 =	smov.u32 s29;
	s29 =	sadd.s32 $0x100, s29  }
0x91: {  	[tilespmem:s22], [sflag:$0x2] =	stream.indirect.gather [hbm4b:s5+s20], $0x80, s30, s20, $0xb8;
	[tilespmem:$0x1E900] =	vst v63  }
0x92: {  	s30 =	smov.u32 s0;
	_ =	swait.ge [sflag:s23], $0x4000  }
0x93: {  	[sflag:s23] =	ssyncset.done $0x0  }
0x94: {  	[sflag:s23] =	ssyncadd.s32 $0xFFFFC000  }
0x95: {  	_ =	swait.ge [sflag:s24], $0x80  }
0x96: {  	s0 =	sadd.s32 $0xFFFFFF80, s1;
	[sflag:s24] =	ssyncset.done $0x0  }
0x97: {  	s9 =	sand.u32 $0x7C00, s0;
	s0 =	sand.u32 $0x300, s0;
	[sflag:s24] =	ssyncadd.s32 $0xFFFFFF80  }
0x98: {  	[spmem:s2] =	stream.indirect.scatter.add.f32 [tilespmem:s21], [sflag:$0x5], $0x80, s18, s20, $0xb8;
	[tilespmem:$0x1E900] =	vst v63  }
0x99: {  	s9 =	sadd.s32 s4, s9;
	_ =	swait.ge [sflag:s15], $0x4000  }
0x9a: {  	s0 =	sor.u32 s0, s9;
	[sflag:s15] =	ssyncset.done $0x0  }
0x9b: {  	s0 =	sshrl.u32 s0, $0x3;
	[sflag:s15] =	ssyncadd.s32 $0xFFFFC000  }
0x9c: {  	s0 =	sadd.s32 s7, s0  }
0x9d: {  	[tilespmem:s18], [sflag:$0x3] =	stream.linear.gather [hbm4b:s0+s3], $0x80, $0x38;
	[tilespmem:$0x1E900] =	vst v63  }
0x9e: {  	_ = 	snop  }
0x9f: {  	[tilespmem:s21], [sflag:$0x1] =	stream.indirect.gather [hbm4b:s5+s20], $0x80, s31, s20, $0xb8;
	[tilespmem:$0x1E900] =	vst v63  }
0xa0: {  	_ =	swait.ge [sflag:s25], $0x4000  }
0xa1: {  	[sflag:s25] =	ssyncset.done $0x0  }
0xa2: {  	[sflag:s25] =	ssyncadd.s32 $0xFFFFC000  }
0xa3: {  	_ =	swait.ge [sflag:s26], $0x80  }
0xa4: {  	s0 =	sand.u32 $0x7C00, s1;
	[sflag:s26] =	ssyncset.done $0x0  }
0xa5: {  	s1 =	sand.u32 $0x380, s1;
	s0 =	sadd.s32 s4, s0;
	[sflag:s26] =	ssyncadd.s32 $0xFFFFFF80  }
0xa6: {  	[spmem:s2] =	stream.indirect.scatter.add.f32 [tilespmem:s22], [sflag:$0x5], $0x80, s19, s20, $0xb8;
	[tilespmem:$0x1E900] =	vst v63  }
.Ltmp5:
0xa7: {  	_ = 	snop;
	(pc) =	sbr.rel @!p1 .LBB2_3-.Ltmp5, $4  }
0xa8: {  	s0 =	sor.u32 s1, s0;
	_ =	swait.ge [sflag:s15], $0x4000  }
0xa9: {  	s0 =	sshrl.u32 s0, $0x3;
	[sflag:s15] =	ssyncset.done $0x0  }
0xaa: {  	s31 =	sadd.s32 $0x100, s31;
	s0 =	sadd.s32 s7, s0;
	[sflag:s15] =	ssyncadd.s32 $0xFFFFC000  }
0xab: {  	[tilespmem:s19], [sflag:$0x4] =	stream.linear.gather [hbm4b:s0+s3], $0x80, $0x38;
	[tilespmem:$0x1E900] =	vst v63  }
.Ltmp6:
0xac: {  	(pc) =	sbr.rel .LBB2_8-.Ltmp6, $3  }
0xad: {  	_ =	sdelay $0x1  }
0xae: {  	[tilespmem:s22], [sflag:$0x2] =	stream.indirect.gather [hbm4b:s5+s20], $0x80, s30, s20, $0xb8;
	[tilespmem:$0x1E900] =	vst v63  }
0xaf: {  	s29 =	rddreg [dreg:$0x3]  }
.LBB2_9:
0xb0: {  	_ =	sfence.sel $0x180000  }
0xb1: {  	[bflag:$0x0] =	sbarrier.arrive $0xFFFF  }
0xb2: {  	_ =	strace $0x9000004A  }
0xb3: {  	s0 =	stileid.u32;
	[bflag:$0x2] =	sbarrier.arrive $0xFFFF  }
0xb4: {  	p0 =	sne.s32 s0, $0x0;
	s0 =	rddreg [dreg:$0x2]  }
0xb5: {  	s0 =	sadd.s32 @!p0 $0x100000, s0  }
0xb6: {  	[sflag:s0] =	ssyncadd.tile.s32 @!p0 $0x1;
	_ =	shalt  }
.Lfunc_end2:
_tile_overlayer_lowered:
.L_overlay_start_2:
0xb7: {  	(tag) =	ssettag $0x2  }
0xb8: {  	s0 =	rddreg [dreg:$0x0];
	s2 =	stileid.u32  }
0xb9: {  	s1 =	rddreg [dreg:$0x1];
	p0 =	sne.s32 s2, $0x0  }
0xba: {  	s3 =	rddreg [dreg:$0x2];
	[bflag:$0x3] =	sbarrier.arrive $0xFFFF;
	s2 =	simm.s32 @!p0 $0x1C05  }
0xbb: {  	[timem:s3], [sflag:s2] =	dma.local @!p0 [hbm:s0], s1  }
0xbc: {  	s0 =	simm.s32 @!p0 $0x5  }
0xbd: {  	_ =	swait.ge @!p0 [sflag:s0], s1  }
0xbe: {  	s1 =	ssub.s32 @!p0 $0x0, s1;
	[sflag:s0] =	ssyncset.done @!p0 $0x0  }
0xbf: {  	[sflag:s0] =	ssyncadd.s32 @!p0 s1  }
0xc0: {  	[bflag:$0x3] =	sbarrier.arrive $0xFFFF  }
0xc1: {  	_ =	shalt  }

// kernel: kernel.13.cloned.1.call-start
scs
__scs_entry_jumppad:
0x0: {  	(pc) =	sbr.rel $0x88, $3  }
0x1: {  	(tag) =	ssettag $0x0;
	lr =	simm.s32 $0x1  }
0x2: {  	[smem:$0x3F99] =	sst lr;
	_ =	strace $0xD0000000  }
0x3: {  	_ = 	snop  }
0x4: {  	_ = 	snop  }
0x5: {  	_ = 	snop  }
0x6: {  	_ = 	snop  }
0x7: {  	_ = 	snop  }
__scs_overlays_trampoline_lowered:
0x8: {  	[smem:$0x3FA8] =	sst s0  }
0x9: {  	[smem:$0x3FA9] =	sst s1  }
0xa: {  	[smem:$0x3FAA] =	sst s2  }
0xb: {  	[smem:$0x3FAB] =	sst s3  }
0xc: {  	[smem:$0x3FAC] =	sst s4  }
0xd: {  	[smem:$0x3FAD] =	sst s5  }
0xe: {  	[smem:$0x3FAE] =	sst s6  }
0xf: {  	[smem:$0x3FAF] =	sst s7  }
0x10: {  	[smem:$0x3FB0] =	sst s8  }
0x11: {  	[smem:$0x3FB1] =	sst s9;
	s0 =	simm.s32 @!p0 $0x0  }
0x12: {  	s1 =	sld [smem:$0x3F97];
	s0 =	simm.s32 @p0 $0x1  }
0x13: {  	[smem:$0x3FB2] =	sst s0;
	s0 =	simm.s32 @!p1 $0x0  }
0x14: {  	s2 =	sld [smem:$0x3F96];
	s0 =	simm.s32 @p1 $0x1  }
0x15: {  	[smem:$0x3FB3] =	sst s0;
	s0 =	simm.s32 @!p2 $0x0  }
0x16: {  	s3 =	sld [smem:$0x3FDB];
	s0 =	simm.s32 @p2 $0x1  }
0x17: {  	s4 =	simm.s32 $0x1BF5;
	[smem:$0x3FB5] =	sst s0  }
0x18: {  	s0 =	sld [smem:$0x3F98];
	_ =	swait.ge [sflag:s4], $0x0  }
0x19: {  	s7 =	sld [smem:$0x3F99]  }
0x1a: {  	s8 =	sadd.s32 $0xFFFFE003, lr  }
0x1b: {  	s9 =	sadd.s32 $0xFFFFFEF7, lr;
	s5 =	simm.s32 $0xFFFFFFFF;
	p2 =	slt.u32 s8, $0xFFFFF086  }
0x1c: {  	p1 =	slt.u32 s9, $0xF7A;
	s5 =	simm.s32 @!p2 $0x0  }
0x1d: {  	s5 =	simm.s32 @p1 $0x1;
	p0 =	seq.s32 s7, s2  }
0x1e: {  	s7 =	smul.u32 @!p0 $0xF7A, s2;
	p2 =	seq.s32 @!p0 s5, $0x0  }
0x1f: {  	s9 =	smul.u32 $0xF7A, s1;
	s8 =	simm.s32 @!p0 $0x1BF5;
	p2 =	por !p2, p0  }
0x20: {  	[sflag:s8] =	ssyncset.s32 @!p0 $0xFFFFF086;
	s6 =	sadd.s32 @!p0 s3, s7;
	s7 =	simm.s32 @!p0 $0x108  }
0x21: {  	s3 =	sadd.s32 s3, s9;
	s6 =	sadd.s32 @!p0 $0x88, s6;
	s7 =	simm.s32 @p2 $0x1082  }
0x22: {  	[simem:s7], [sflag:s8] =	dma.local @!p0 [hbm:s6], $0xF7A  }
0x23: {  	s9 =	sor.u32 $0xD0000000, s2;
	s6 =	simm.s32 $0x108;
	_ =	swait.ge @!p0 [sflag:s8], $0x0  }
0x24: {  	s3 =	sadd.s32 $0x88, s3;
	s6 =	simm.s32 @!p1 $0x1082;
	[sflag:s4] =	ssyncset.s32 $0xFFFFF086  }
0x25: {  	[simem:s6], [sflag:s4] =	dma.local [hbm:s3], $0xF7A  }
0x26: {  	[smem:$0x3F99] =	sst s1;
	(tag) =	ssettag s2;
	_ =	strace s9  }
0x27: {  	s1 =	sld [smem:$0x3FA9]  }
0x28: {  	s2 =	sld [smem:$0x3FAA]  }
0x29: {  	s4 =	sld [smem:$0x3FAC]  }
0x2a: {  	p0 =	seq.s32 s5, $0x0;
	s5 =	sld [smem:$0x3FAD]  }
0x2b: {  	s6 =	sld [smem:$0x3FAE]  }
0x2c: {  	s7 =	sld [smem:$0x3FAF]  }
0x2d: {  	s3 =	simm.s32 $0x108;
	s8 =	sld [smem:$0x3FB0]  }
0x2e: {  	s3 =	simm.s32 @!p0 $0x1082;
	s9 =	sld [smem:$0x3FB1]  }
0x2f: {  	lr =	sadd.s32 s0, s3;
	s0 =	sld [smem:$0x3FA8]  }
0x30: {  	s3 =	sld [smem:$0x3FAB]  }
0x31: {  	[smem:$0x3FB4] =	sst s10  }
0x32: {  	s10 =	sld [smem:$0x3FB2];
	_ =	sdelay $0x3  }
0x33: {  	p0 =	seq.s32 s10, $0x1;
	s10 =	sld [smem:$0x3FB4];
	_ =	sdelay $0x3  }
0x34: {  	[smem:$0x3FB4] =	sst s10  }
0x35: {  	s10 =	sld [smem:$0x3FB3];
	_ =	sdelay $0x3  }
0x36: {  	p1 =	seq.s32 s10, $0x1;
	s10 =	sld [smem:$0x3FB4];
	_ =	sdelay $0x3  }
0x37: {  	[smem:$0x3FB4] =	sst s10  }
0x38: {  	s10 =	sld [smem:$0x3FB5]  }
0x39: {  	_ = 	snop;
	(pc) =	sbr.ind lr, $3  }
0x3a: {  	_ = 	snop  }
0x3b: {  	_ = 	snop  }
0x3c: {  	p2 =	seq.s32 s10, $0x1;
	s10 =	sld [smem:$0x3FB4]  }
0x3d: {  	_ =	shalt  }
0x3e: {  	_ =	shalt  }
0x3f: {  	_ =	shalt  }
0x40: {  	_ =	shalt  }
0x41: {  	_ =	shalt  }
0x42: {  	_ =	shalt  }
0x43: {  	_ =	shalt  }
0x44: {  	_ =	shalt  }
0x45: {  	_ =	shalt  }
0x46: {  	_ =	shalt  }
0x47: {  	_ =	shalt  }
0x48: {  	_ =	shalt  }
0x49: {  	_ =	shalt  }
0x4a: {  	_ =	shalt  }
0x4b: {  	_ =	shalt  }
0x4c: {  	_ =	shalt  }
0x4d: {  	_ =	shalt  }
0x4e: {  	_ =	shalt  }
0x4f: {  	_ =	shalt  }
0x50: {  	_ =	shalt  }
0x51: {  	_ =	shalt  }
0x52: {  	_ =	shalt  }
0x53: {  	_ =	shalt  }
0x54: {  	_ =	shalt  }
0x55: {  	_ =	shalt  }
0x56: {  	_ =	shalt  }
0x57: {  	_ =	shalt  }
0x58: {  	_ =	shalt  }
0x59: {  	_ =	shalt  }
0x5a: {  	_ =	shalt  }
0x5b: {  	_ =	shalt  }
0x5c: {  	_ =	shalt  }
0x5d: {  	_ =	shalt  }
0x5e: {  	_ =	shalt  }
0x5f: {  	_ =	shalt  }
0x60: {  	_ =	shalt  }
0x61: {  	_ =	shalt  }
0x62: {  	_ =	shalt  }
0x63: {  	_ =	shalt  }
0x64: {  	_ =	shalt  }
0x65: {  	_ =	shalt  }
0x66: {  	_ =	shalt  }
0x67: {  	_ =	shalt  }
0x68: {  	_ =	shalt  }
0x69: {  	_ =	shalt  }
0x6a: {  	_ =	shalt  }
0x6b: {  	_ =	shalt  }
0x6c: {  	_ =	shalt  }
0x6d: {  	_ =	shalt  }
0x6e: {  	_ =	shalt  }
0x6f: {  	_ =	shalt  }
0x70: {  	_ =	shalt  }
0x71: {  	_ =	shalt  }
0x72: {  	_ =	shalt  }
0x73: {  	_ =	shalt  }
0x74: {  	_ =	shalt  }
0x75: {  	_ =	shalt  }
0x76: {  	_ =	shalt  }
0x77: {  	_ =	shalt  }
0x78: {  	_ =	shalt  }
0x79: {  	_ =	shalt  }
0x7a: {  	_ =	shalt  }
0x7b: {  	_ =	shalt  }
0x7c: {  	_ =	shalt  }
0x7d: {  	_ =	shalt  }
0x7e: {  	_ =	shalt  }
0x7f: {  	_ =	shalt  }
0x80: {  	_ =	shalt  }
0x81: {  	_ =	shalt  }
0x82: {  	_ =	shalt  }
0x83: {  	_ =	shalt  }
0x84: {  	_ =	shalt  }
0x85: {  	_ =	shalt  }
0x86: {  	_ =	shalt  }
0x87: {  	_ =	shalt  }
.Lfunc_end0:
.L_simem_size_0:
called_computation.2_lowered:
.L_overlay_start_0:
0x88: {  	s2 =	sld [smem:$0x3FD9]  }
0x89: {  	s3 =	sld [smem:$0x3FFE];
	_ =	sdelay $0x1  }
0x8a: {  	s1 =	srdreg.scid  }
0x8b: {  	s0 =	sand.u32 $0x1, s1  }
0x8c: {  	s17 =	sshll.u32 s0, $0xA;
	s2 =	sadd.s32 s3, s2  }
0x8d: {  	s2 =	sadd.s32 s2, s17  }
0x8e: {  	[smem:$0x3FC0] =	sst s2  }
0x8f: {  	_ = 	snop  }
0x90: {  	(tm) =	ssettm $0x1  }
0x91: {  	s18 =	sld [smem:$0x3FFB];
	_ =	sdelay $0x3  }
0x92: {  	_ =	strace s18  }
0x93: {  	s2 =	sld [smem:$0x3FFC];
	_ =	sdelay $0x3  }
0x94: {  	_ =	strace s2  }
0x95: {  	s2 =	sld [smem:$0x3FFD];
	_ =	sdelay $0x3  }
0x96: {  	_ =	strace s2  }
0x97: {  	_ =	strace $0x8FFFFFFF  }
0x98: {  	s19 =	sld [smem:$0x3FDB];
	_ =	sdelay $0x1  }
0x99: {  	s20 =	simm.s32 $_scs_section_size  }
0x9a: {  	s4 =	simm.s32 $_size__tile_overlayer_lowered;
	s5 =	simm.s32 $_tile_overlayer_lowered  }
0x9b: {  	s6 =	simm.s32 $0x1BFF;
	s21 =	sshll.u32 s5, $0x1;
	s3 =	sadd.s32 s20, s19  }
0x9c: {  	s22 =	simm.s32 $0x0;
	s4 =	sshll.u32 s4, $0x1;
	s5 =	sadd.s32 s21, s3  }
0x9d: {  	[timem:s22], [sflag:s6] =	dma.local [hbm:s5], s4  }
0x9e: {  	_ =	swait.ge [sflag:s6], s4  }
0x9f: {  	s4 =	ssub.s32 $0x0, s4;
	[sflag:s6] =	ssyncset.done $0x0  }
0xa0: {  	[sflag:s6] =	ssyncadd.s32 s4;
	_ =	sdelay $0x1  }
0xa1: {  	s23 =	simm.s32 $0x1B8B  }
0xa2: {  	_ =	swait.ge [sflag:s23], $0x1  }
0xa3: {  	[sflag:s23] =	ssyncset.done $0x0  }
0xa4: {  	[sflag:s23] =	ssyncadd.s32 $0xFFFFFFFF  }
0xa5: {  	s4 =	sld [smem:$0x0]  }
0xa6: {  	s5 =	sand.u32 $0xFFFFFFFE, s1  }
0xa7: {  	p0 =	sne.s32 s1, s5  }
0xa8: {  	s5 =	sshll.u32 @p0 s5, $0xE  }
0xa9: {  	s5 =	sadd.s32 @p0 $0x11B8D, s5;
	s6 =	sshll.u32 @p0 s4, $0x11  }
0xaa: {  	s5 =	sor.u32 @p0 s6, s5  }
0xab: {  	[sflag:s5] =	ssyncadd.remote.s32 @p0 $0x1;
	_ =	sdelay $0x1  }
0xac: {  	s5 =	simm.s32 @p0 $0x1B8D  }
0xad: {  	_ =	swait.eq @p0 [sflag:s5], $0x1  }
0xae: {  	[sflag:s5] =	ssyncadd.s32 @p0 $0xFFFFFFFF  }
0xaf: {  	s6 =	sshll.u32 @!p0 s1, $0xE  }
0xb0: {  	s6 =	sor.u32 @!p0 $0x4000, s6;
	s5 =	simm.s32 @!p0 $0x1B8D  }
0xb1: {  	s4 =	sshll.u32 @!p0 s4, $0x11;
	s6 =	sadd.s32 @!p0 $0x11B8D, s6;
	_ =	swait.eq @!p0 [sflag:s5], $0x1  }
0xb2: {  	s4 =	sor.u32 @!p0 s4, s6;
	[sflag:s5] =	ssyncadd.s32 @!p0 $0xFFFFFFFF  }
0xb3: {  	s25 =	simm.s32 $0x1B8E;
	s24 =	sld [smem:$0x3FFE];
	[sflag:s4] =	ssyncadd.remote.s32 @!p0 $0x1  }
0xb4: {  	s26 =	simm.s32 $execute0_lowered;
	[smem:$0x3FD2] =	sst s25  }
0xb5: {  	s5 =	sshll.u32 s26, $0x1;
	_ =	strace $0x8000004C;
	[dreg:$0x1] =	wrdreg $0xFFFFFFFF  }
0xb6: {  	s28 =	simm.s32 $_size_execute0_lowered;
	s3 =	sadd.s32 s3, s5;
	[dreg:$0x0] =	wrdreg $0x0  }
0xb7: {  	s5 =	sshll.u32 s28, $0x1;
	[dreg:$0x2] =	wrdreg s3  }
0xb8: {  	[dreg:$0x3] =	wrdreg s5  }
0xb9: {  	[dreg:$0x4] =	wrdreg $0xC0  }
0xba: {  	_ =	task [dreg:s22], $0x5FFFF  }
0xbb: {  	[dreg:$0x1] =	wrdreg $0xFFFFFFFF  }
0xbc: {  	[dreg:$0x0] =	wrdreg $0x60  }
0xbd: {  	[dreg:$0x2] =	wrdreg s24  }
0xbe: {  	[dreg:$0x3] =	wrdreg $0xA  }
0xbf: {  	_ =	task.clear_ibuf [dreg:s22], $0x4FFFF;
	_ =	strace $0x9000004C  }
0xc0: {  	s29 =	simm.s32 $0xA;
	_ =	strace $0x8000004E  }
0xc1: {  	_ =	swait.ge [sflag:s29], $0x1  }
0xc2: {  	[sflag:s29] =	ssyncadd.s32 $0xFFFFFFFF  }
0xc3: {  	_ =	strace $0x9000004E  }
0xc4: {  	_ =	sfence  }
0xc5: {  	s30 =	sld [smem:$0x0];
	_ =	sdelay $0x2  }
0xc6: {  	s31 =	sshll.u32 s1, $0xD;
	s1 =	sshrl.u32 s1, $0x2  }
0xc7: {  	s4 =	sand.u32 $0x4000, s31;
	s1 =	sadd.s32 s1, s30  }
0xc8: {  	s0 =	sor.u32 s4, s0;
	s1 =	sshll.u32 s1, $0x11  }
0xc9: {  	s0 =	sor.u32 s1, s0  }
0xca: {  	s0 =	sadd.s32 $0x8F2B, s0  }
0xcb: {  	[sflag:s0] =	ssyncadd.remote.s32 $0x1  }
0xcc: {  	_ =	sfence.sel $0xFFFF  }
0xcd: {  	[dreg:$0x0] =	wrdreg $0xFFFFFFFF;
	(pc) =	sbr.abs _section_cstart, $3  }
0xce: {  	[dreg:$0x1] =	wrdreg $0xFFFFFFFF  }
0xcf: {  	_ =	task.clear_ibuf [dreg:s22], $0x2FFFF;
	_ =	strace $0x9FFFFFFF  }
0xd0: {  	(tm) =	ssettm $0x7FFFFFFF  }
0xd1: {  	_ =	shalt  }
tec
execute0_lowered:
.L_overlay_start_1:
0x0: {  	(tag) =	ssettag $0x1  }
0x1: {  	s1 =	srdreg.scid  }
0x2: {  	s0 =	stileid.u32;
	s4 =	rddreg [dreg:$0x0];
	s8 =	simm.s32 $0x1  }
0x3: {  	s9 =	simm.s32 $0x1400;
	s10 =	simm.s32 $0x2800;
	s11 =	simm.s32 $0x5000  }
0x4: {  	s12 =	simm.s32 $0x80;
	s13 =	simm.s32 $0x400;
	s14 =	simm.s32 $0x0  }
0x5: {  	s3 =	sand.u32 $0x1, s1;
	s2 =	sshll.u32 s0, $0x1;
	s1 =	rddreg [dreg:$0x1]  }
0x6: {  	s6 =	sshrl.u32 s0, $0x2;
	s5 =	sor.u32 s3, s2;
	s2 =	simm.s32 $0x0  }
0x7: {  	s6 =	smul.u32 $0x14000, s6;
	s30 =	ssub.s32 $0x2, s3;
	s7 =	sshll.u32 s5, $0x7  }
0x8: {  	s3 =	sadd.s32 $0x8800, s4;
	[smem:$0x7FF] =	sst s2;
	s7 =	sand.u32 $0x380, s7  }
0x9: {  	s5 =	smul.u32 $0x280, s5;
	s31 =	sshrl.u32 s30, $0x1;
	s6 =	sor.u32 s6, s7  }
0xa: {  	_ =	strace $0x8000004D;
	s7 =	ssub.s32 s30, s31;
	s6 =	sshrl.u32 s6, $0x3  }
0xb: {  	s5 =	sadd.s32 s5, s4;
	s7 =	smax.u32 s7, $0x1;
	s6 =	sadd.s32 s6, s4  }
0xc: {  	v0 =	vimm.f32 $0.0e+00;
	s4 =	sadd.s32 $0x12800, s5;
	s5 =	sadd.s32 $0x3800, s5;
	s6 =	sadd.s32 $0xB7800, s6  }
.LBB2_1:
0xd: {  	[tilespmem:s2], [sflag:$0x1] =	stream.linear.gather [hbm4b:s4+s2], $0x1400, $0x38;
	[tilespmem:$0x7800] =	vst v63  }
0xe: {  	_ =	swait.ge [sflag:s8], $0x1400  }
0xf: {  	[sflag:s8] =	ssyncset.done $0x0  }
0x10: {  	[sflag:s8] =	ssyncadd.s32 $0xFFFFEC00  }
0x11: {  	[tilespmem:s9], [sflag:$0x1] =	stream.linear.gather [hbm4b:s5+s2], $0x1400, $0x38;
	[tilespmem:$0x7800] =	vst v63  }
0x12: {  	_ =	swait.ge [sflag:s8], $0x1400  }
0x13: {  	[sflag:s8] =	ssyncset.done $0x0  }
0x14: {  	[sflag:s8] =	ssyncadd.s32 $0xFFFFEC00  }
0x15: {  	[tilespmem:s10], [sflag:$0x1] =	stream.linear.gather [hbm4b:s3+s2], $0x2800, $0x38;
	[tilespmem:$0x7800] =	vst v63  }
0x16: {  	_ =	swait.ge [sflag:s8], $0x2800  }
0x17: {  	[sflag:s8] =	ssyncset.done $0x0  }
0x18: {  	s15 =	simm.s32 $0x0;
	[sflag:s8] =	ssyncadd.s32 $0xFFFFD800  }
.LBB2_2:
0x19: {  	p0 =	sne.s32 s15, $0x9FC0  }
.Ltmp0:
0x1a: {  	_ = 	snop;
	(pc) =	sbr.rel @p0 .LBB2_2-.Ltmp0, $3  }
0x1b: {  	_ =	sdelay $0x1  }
0x1c: {  	s16 =	sshra.s32 s15, $0x2  }
0x1d: {  	s15 =	sadd.s32 $0x40, s15;
	[tilespmem:s16+$0x5000] =	vst v0  }
0x1e: {  	s16 =	simm.s32 $0x0;
	s15 =	simm.s32 $0x40  }
.LBB2_4:
0x1f: {  	p0 =	sne.s32 s15, $0x4FC0;
	v1 =	vld [tilespmem:s16+$0x1400];
	_ =	sdelay $0x5  }
0x20: {  	v2 =	vld [tilespmem:s16+$0x0];
	_ =	sdelay $0x1  }
0x21: {  	v1 =	vld.idx.msk [tilespmem:v1+s10+$0x0], $0xffff;
	_ =	sdelay $0x1  }
.Ltmp1:
0x22: {  	(pc) =	sbr.rel @p0 .LBB2_4-.Ltmp1, $2  }
0x23: {  	_ =	sdelay $0x2  }
0x24: {  	s16 =	sshra.s32 s15, $0x2;
	s15 =	sadd.s32 $0x40, s15;
	[tilespmem:v2+s11+$0x0] =	vst.idx.add.f32.msk $0xffff, v1  }
0x25: {  	v1 =	vld [tilespmem:s16+$0x1400];
	_ =	sdelay $0x4  }
0x26: {  	v2 =	vld [tilespmem:s16+$0x0];
	_ =	sdelay $0x2  }
0x27: {  	v1 =	vld.idx.msk [tilespmem:v1+s10+$0x0], $0xffff;
	_ =	sdelay $0x2  }
0x28: {  	s14 =	sadd.s32 $0x1, s14  }
0x29: {  	p0 =	sne.s32 s14, s7  }
.Ltmp2:
0x2a: {  	[tilespmem:v2+s11+$0x0] =	vst.idx.add.f32.msk $0xffff, v1;
	(pc) =	sbr.rel @p0 .LBB2_1-.Ltmp2, $4  }
0x2b: {  	[hbm4b:s6+s12] =	stream.strided.scatter [tilespmem:s11], [sflag:$0x1], $0x2800, s13, s12, $0x38;
	[tilespmem:$0x7800] =	vst v63  }
0x2c: {  	_ =	swait.ge [sflag:s8], $0x2800  }
0x2d: {  	[sflag:s8] =	ssyncset.done $0x0  }
0x2e: {  	[sflag:s8] =	ssyncadd.s32 $0xFFFFD800  }
0x2f: {  	_ =	sfence.sel $0x180000  }
0x30: {  	[bflag:$0x0] =	sbarrier.arrive $0xFFFF  }
0x31: {  	p0 =	sne.s32 s0, $0x0;
	_ =	strace $0x9000004D  }
0x32: {  	s0 =	sadd.s32 @!p0 $0x100000, s1;
	[bflag:$0x2] =	sbarrier.arrive $0xFFFF  }
0x33: {  	[sflag:s0] =	ssyncadd.tile.s32 @!p0 $0x1;
	_ =	shalt  }
.Lfunc_end2:
_tile_overlayer_lowered:
.L_overlay_start_2:
0x34: {  	(tag) =	ssettag $0x2  }
0x35: {  	s0 =	rddreg [dreg:$0x0];
	s2 =	stileid.u32  }
0x36: {  	s1 =	rddreg [dreg:$0x1];
	p0 =	sne.s32 s2, $0x0  }
0x37: {  	s3 =	rddreg [dreg:$0x2];
	[bflag:$0x3] =	sbarrier.arrive $0xFFFF;
	s2 =	simm.s32 @!p0 $0x1C01  }
0x38: {  	[timem:s3], [sflag:s2] =	dma.local @!p0 [hbm:s0], s1  }
0x39: {  	s0 =	simm.s32 @!p0 $0x1  }
0x3a: {  	_ =	swait.ge @!p0 [sflag:s0], s1  }
0x3b: {  	s1 =	ssub.s32 @!p0 $0x0, s1;
	[sflag:s0] =	ssyncset.done @!p0 $0x0  }
0x3c: {  	[sflag:s0] =	ssyncadd.s32 @!p0 s1  }
0x3d: {  	[bflag:$0x3] =	sbarrier.arrive $0xFFFF  }
0x3e: {  	_ =	shalt  }

// kernel: kernel.7.cloned.1.call-start
scs
__scs_entry_jumppad:
0x0: {  	(pc) =	sbr.rel $0x88, $3  }
0x1: {  	(tag) =	ssettag $0x0;
	lr =	simm.s32 $0x1  }
0x2: {  	[smem:$0x3F99] =	sst lr;
	_ =	strace $0xD0000000  }
0x3: {  	_ = 	snop  }
0x4: {  	_ = 	snop  }
0x5: {  	_ = 	snop  }
0x6: {  	_ = 	snop  }
0x7: {  	_ = 	snop  }
__scs_overlays_trampoline_lowered:
0x8: {  	[smem:$0x3FA8] =	sst s0  }
0x9: {  	[smem:$0x3FA9] =	sst s1  }
0xa: {  	[smem:$0x3FAA] =	sst s2  }
0xb: {  	[smem:$0x3FAB] =	sst s3  }
0xc: {  	[smem:$0x3FAC] =	sst s4  }
0xd: {  	[smem:$0x3FAD] =	sst s5  }
0xe: {  	[smem:$0x3FAE] =	sst s6  }
0xf: {  	[smem:$0x3FAF] =	sst s7  }
0x10: {  	[smem:$0x3FB0] =	sst s8  }
0x11: {  	[smem:$0x3FB1] =	sst s9;
	s0 =	simm.s32 @!p0 $0x0  }
0x12: {  	s1 =	sld [smem:$0x3F97];
	s0 =	simm.s32 @p0 $0x1  }
0x13: {  	[smem:$0x3FB2] =	sst s0;
	s0 =	simm.s32 @!p1 $0x0  }
0x14: {  	s2 =	sld [smem:$0x3F96];
	s0 =	simm.s32 @p1 $0x1  }
0x15: {  	[smem:$0x3FB3] =	sst s0;
	s0 =	simm.s32 @!p2 $0x0  }
0x16: {  	s3 =	sld [smem:$0x3FDB];
	s0 =	simm.s32 @p2 $0x1  }
0x17: {  	s4 =	simm.s32 $0x1BF5;
	[smem:$0x3FB5] =	sst s0  }
0x18: {  	s0 =	sld [smem:$0x3F98];
	_ =	swait.ge [sflag:s4], $0x0  }
0x19: {  	s7 =	sld [smem:$0x3F99]  }
0x1a: {  	s8 =	sadd.s32 $0xFFFFE003, lr  }
0x1b: {  	s9 =	sadd.s32 $0xFFFFFEF7, lr;
	s5 =	simm.s32 $0xFFFFFFFF;
	p2 =	slt.u32 s8, $0xFFFFF086  }
0x1c: {  	p1 =	slt.u32 s9, $0xF7A;
	s5 =	simm.s32 @!p2 $0x0  }
0x1d: {  	s5 =	simm.s32 @p1 $0x1;
	p0 =	seq.s32 s7, s2  }
0x1e: {  	s7 =	smul.u32 @!p0 $0xF7A, s2;
	p2 =	seq.s32 @!p0 s5, $0x0  }
0x1f: {  	s9 =	smul.u32 $0xF7A, s1;
	s8 =	simm.s32 @!p0 $0x1BF5;
	p2 =	por !p2, p0  }
0x20: {  	[sflag:s8] =	ssyncset.s32 @!p0 $0xFFFFF086;
	s6 =	sadd.s32 @!p0 s3, s7;
	s7 =	simm.s32 @!p0 $0x108  }
0x21: {  	s3 =	sadd.s32 s3, s9;
	s6 =	sadd.s32 @!p0 $0x88, s6;
	s7 =	simm.s32 @p2 $0x1082  }
0x22: {  	[simem:s7], [sflag:s8] =	dma.local @!p0 [hbm:s6], $0xF7A  }
0x23: {  	s9 =	sor.u32 $0xD0000000, s2;
	s6 =	simm.s32 $0x108;
	_ =	swait.ge @!p0 [sflag:s8], $0x0  }
0x24: {  	s3 =	sadd.s32 $0x88, s3;
	s6 =	simm.s32 @!p1 $0x1082;
	[sflag:s4] =	ssyncset.s32 $0xFFFFF086  }
0x25: {  	[simem:s6], [sflag:s4] =	dma.local [hbm:s3], $0xF7A  }
0x26: {  	[smem:$0x3F99] =	sst s1;
	(tag) =	ssettag s2;
	_ =	strace s9  }
0x27: {  	s1 =	sld [smem:$0x3FA9]  }
0x28: {  	s2 =	sld [smem:$0x3FAA]  }
0x29: {  	s4 =	sld [smem:$0x3FAC]  }
0x2a: {  	p0 =	seq.s32 s5, $0x0;
	s5 =	sld [smem:$0x3FAD]  }
0x2b: {  	s6 =	sld [smem:$0x3FAE]  }
0x2c: {  	s7 =	sld [smem:$0x3FAF]  }
0x2d: {  	s3 =	simm.s32 $0x108;
	s8 =	sld [smem:$0x3FB0]  }
0x2e: {  	s3 =	simm.s32 @!p0 $0x1082;
	s9 =	sld [smem:$0x3FB1]  }
0x2f: {  	lr =	sadd.s32 s0, s3;
	s0 =	sld [smem:$0x3FA8]  }
0x30: {  	s3 =	sld [smem:$0x3FAB]  }
0x31: {  	[smem:$0x3FB4] =	sst s10  }
0x32: {  	s10 =	sld [smem:$0x3FB2];
	_ =	sdelay $0x3  }
0x33: {  	p0 =	seq.s32 s10, $0x1;
	s10 =	sld [smem:$0x3FB4];
	_ =	sdelay $0x3  }
0x34: {  	[smem:$0x3FB4] =	sst s10  }
0x35: {  	s10 =	sld [smem:$0x3FB3];
	_ =	sdelay $0x3  }
0x36: {  	p1 =	seq.s32 s10, $0x1;
	s10 =	sld [smem:$0x3FB4];
	_ =	sdelay $0x3  }
0x37: {  	[smem:$0x3FB4] =	sst s10  }
0x38: {  	s10 =	sld [smem:$0x3FB5]  }
0x39: {  	_ = 	snop;
	(pc) =	sbr.ind lr, $3  }
0x3a: {  	_ = 	snop  }
0x3b: {  	_ = 	snop  }
0x3c: {  	p2 =	seq.s32 s10, $0x1;
	s10 =	sld [smem:$0x3FB4]  }
0x3d: {  	_ =	shalt  }
0x3e: {  	_ =	shalt  }
0x3f: {  	_ =	shalt  }
0x40: {  	_ =	shalt  }
0x41: {  	_ =	shalt  }
0x42: {  	_ =	shalt  }
0x43: {  	_ =	shalt  }
0x44: {  	_ =	shalt  }
0x45: {  	_ =	shalt  }
0x46: {  	_ =	shalt  }
0x47: {  	_ =	shalt  }
0x48: {  	_ =	shalt  }
0x49: {  	_ =	shalt  }
0x4a: {  	_ =	shalt  }
0x4b: {  	_ =	shalt  }
0x4c: {  	_ =	shalt  }
0x4d: {  	_ =	shalt  }
0x4e: {  	_ =	shalt  }
0x4f: {  	_ =	shalt  }
0x50: {  	_ =	shalt  }
0x51: {  	_ =	shalt  }
0x52: {  	_ =	shalt  }
0x53: {  	_ =	shalt  }
0x54: {  	_ =	shalt  }
0x55: {  	_ =	shalt  }
0x56: {  	_ =	shalt  }
0x57: {  	_ =	shalt  }
0x58: {  	_ =	shalt  }
0x59: {  	_ =	shalt  }
0x5a: {  	_ =	shalt  }
0x5b: {  	_ =	shalt  }
0x5c: {  	_ =	shalt  }
0x5d: {  	_ =	shalt  }
0x5e: {  	_ =	shalt  }
0x5f: {  	_ =	shalt  }
0x60: {  	_ =	shalt  }
0x61: {  	_ =	shalt  }
0x62: {  	_ =	shalt  }
0x63: {  	_ =	shalt  }
0x64: {  	_ =	shalt  }
0x65: {  	_ =	shalt  }
0x66: {  	_ =	shalt  }
0x67: {  	_ =	shalt  }
0x68: {  	_ =	shalt  }
0x69: {  	_ =	shalt  }
0x6a: {  	_ =	shalt  }
0x6b: {  	_ =	shalt  }
0x6c: {  	_ =	shalt  }
0x6d: {  	_ =	shalt  }
0x6e: {  	_ =	shalt  }
0x6f: {  	_ =	shalt  }
0x70: {  	_ =	shalt  }
0x71: {  	_ =	shalt  }
0x72: {  	_ =	shalt  }
0x73: {  	_ =	shalt  }
0x74: {  	_ =	shalt  }
0x75: {  	_ =	shalt  }
0x76: {  	_ =	shalt  }
0x77: {  	_ =	shalt  }
0x78: {  	_ =	shalt  }
0x79: {  	_ =	shalt  }
0x7a: {  	_ =	shalt  }
0x7b: {  	_ =	shalt  }
0x7c: {  	_ =	shalt  }
0x7d: {  	_ =	shalt  }
0x7e: {  	_ =	shalt  }
0x7f: {  	_ =	shalt  }
0x80: {  	_ =	shalt  }
0x81: {  	_ =	shalt  }
0x82: {  	_ =	shalt  }
0x83: {  	_ =	shalt  }
0x84: {  	_ =	shalt  }
0x85: {  	_ =	shalt  }
0x86: {  	_ =	shalt  }
0x87: {  	_ =	shalt  }
.Lfunc_end0:
.L_simem_size_0:
called_computation_lowered:
.L_overlay_start_0:
0x88: {  	s2 =	sld [smem:$0x3FD9]  }
0x89: {  	s3 =	sld [smem:$0x3FFE];
	_ =	sdelay $0x1  }
0x8a: {  	s1 =	srdreg.scid  }
0x8b: {  	s0 =	sand.u32 $0x1, s1  }
0x8c: {  	s16 =	sshll.u32 s0, $0xA;
	s2 =	sadd.s32 s3, s2  }
0x8d: {  	s2 =	sadd.s32 s2, s16  }
0x8e: {  	[smem:$0x3FC0] =	sst s2  }
0x8f: {  	_ = 	snop  }
0x90: {  	(tm) =	ssettm $0x1  }
0x91: {  	s17 =	sld [smem:$0x3FFB];
	_ =	sdelay $0x3  }
0x92: {  	_ =	strace s17  }
0x93: {  	s2 =	sld [smem:$0x3FFC];
	_ =	sdelay $0x3  }
0x94: {  	_ =	strace s2  }
0x95: {  	s2 =	sld [smem:$0x3FFD];
	_ =	sdelay $0x3  }
0x96: {  	_ =	strace s2  }
0x97: {  	_ =	strace $0x8FFFFFFF  }
0x98: {  	s18 =	sld [smem:$0x3FDB];
	_ =	sdelay $0x1  }
0x99: {  	s19 =	simm.s32 $_scs_section_size  }
0x9a: {  	s4 =	simm.s32 $_size__tile_overlayer_lowered;
	s5 =	simm.s32 $_tile_overlayer_lowered  }
0x9b: {  	s22 =	simm.s32 $0x1BFF;
	s21 =	sshll.u32 s5, $0x1;
	s2 =	sadd.s32 s19, s18  }
0x9c: {  	s6 =	simm.s32 $0x0;
	s20 =	sshll.u32 s4, $0x1;
	s4 =	sadd.s32 s21, s2  }
0x9d: {  	[timem:s6], [sflag:s22] =	dma.local [hbm:s4], s20  }
0x9e: {  	_ =	swait.ge [sflag:s22], s20  }
0x9f: {  	s3 =	ssub.s32 $0x0, s20;
	[sflag:s22] =	ssyncset.done $0x0  }
0xa0: {  	[sflag:s22] =	ssyncadd.s32 s3;
	_ =	sdelay $0x1  }
0xa1: {  	s23 =	simm.s32 $0x1B8B  }
0xa2: {  	_ =	swait.ge [sflag:s23], $0x1  }
0xa3: {  	[sflag:s23] =	ssyncset.done $0x0  }
0xa4: {  	s25 =	simm.s32 $0x1B8E;
	s24 =	sld [smem:$0x3FFE];
	[sflag:s23] =	ssyncadd.s32 $0xFFFFFFFF  }
0xa5: {  	s26 =	simm.s32 $execute0_lowered;
	[smem:$0x3FD2] =	sst s25  }
0xa6: {  	s4 =	sshll.u32 s26, $0x1;
	_ =	strace $0x80000046;
	[dreg:$0x1] =	wrdreg $0xFFFFFFFF  }
0xa7: {  	s28 =	simm.s32 $_size_execute0_lowered;
	s2 =	sadd.s32 s2, s4;
	[dreg:$0x0] =	wrdreg $0x0  }
0xa8: {  	s4 =	sshll.u32 s28, $0x1;
	[dreg:$0x2] =	wrdreg s2  }
0xa9: {  	[dreg:$0x3] =	wrdreg s4  }
0xaa: {  	[dreg:$0x4] =	wrdreg $0xC0  }
0xab: {  	_ =	task [dreg:s6], $0x5FFFF  }
0xac: {  	[dreg:$0x1] =	wrdreg $0xFFFFFFFF  }
0xad: {  	[dreg:$0x0] =	wrdreg $0x60  }
0xae: {  	[dreg:$0x2] =	wrdreg s24  }
0xaf: {  	[dreg:$0x3] =	wrdreg $0x9  }
0xb0: {  	_ =	task.clear_ibuf [dreg:s6], $0x4FFFF;
	_ =	strace $0x90000046  }
0xb1: {  	s29 =	simm.s32 $0x9;
	_ =	strace $0x80000048  }
0xb2: {  	_ =	swait.ge [sflag:s29], $0x1  }
0xb3: {  	[sflag:s29] =	ssyncadd.s32 $0xFFFFFFFF  }
0xb4: {  	_ =	strace $0x90000048  }
0xb5: {  	_ =	sfence  }
0xb6: {  	s30 =	sld [smem:$0x0];
	_ =	sdelay $0x2  }
0xb7: {  	s31 =	sshll.u32 s1, $0xD;
	s1 =	sshrl.u32 s1, $0x2  }
0xb8: {  	s3 =	sand.u32 $0x4000, s31;
	s1 =	sadd.s32 s1, s30  }
0xb9: {  	s0 =	sor.u32 s3, s0;
	s1 =	sshll.u32 s1, $0x11  }
0xba: {  	s0 =	sor.u32 s1, s0  }
0xbb: {  	s0 =	sadd.s32 $0x8F2B, s0  }
0xbc: {  	[sflag:s0] =	ssyncadd.remote.s32 $0x1  }
0xbd: {  	_ =	sfence.sel $0xFFFF  }
0xbe: {  	[dreg:$0x0] =	wrdreg $0xFFFFFFFF;
	(pc) =	sbr.abs _section_cstart, $3  }
0xbf: {  	[dreg:$0x1] =	wrdreg $0xFFFFFFFF  }
0xc0: {  	_ =	task.clear_ibuf [dreg:s6], $0x2FFFF;
	_ =	strace $0x9FFFFFFF  }
0xc1: {  	(tm) =	ssettm $0x7FFFFFFF  }
tec
execute0_lowered:
.L_overlay_start_1:
0x0: {  	(tag) =	ssettag $0x1  }
0x1: {  	s1 =	srdreg.scid  }
0x2: {  	s0 =	stileid.u32;
	s5 =	rddreg [dreg:$0x0]  }
0x3: {  	s2 =	simm.s32 $0x0;
	s8 =	simm.s32 $0x80;
	s9 =	simm.s32 $0x400  }
0x4: {  	s10 =	simm.s32 $0x0;
	s3 =	sand.u32 $0x1, s1;
	s29 =	sshll.u32 s0, $0x1  }
0x5: {  	s30 =	sshrl.u32 s0, $0x2;
	s1 =	rddreg [dreg:$0x1];
	s4 =	sor.u32 s3, s29  }
0x6: {  	[smem:$0x7FF] =	sst s2;
	s6 =	smul.u32 $0x14000, s30;
	s7 =	sshll.u32 s4, $0x7  }
0x7: {  	s3 =	ssub.s32 $0x2, s3;
	s4 =	smul.u32 $0x280, s4;
	s7 =	sand.u32 $0x380, s7  }
0x8: {  	_ =	strace $0x80000047;
	s31 =	sshrl.u32 s3, $0x1;
	s6 =	sor.u32 s6, s7  }
0x9: {  	s4 =	sadd.s32 s4, s5;
	s7 =	simm.s32 $0x1400;
	s6 =	sshrl.u32 s6, $0x3  }
0xa: {  	s5 =	sadd.s32 s6, s5;
	s6 =	ssub.s32 s3, s31;
	s3 =	sadd.s32 $0x3800, s4  }
0xb: {  	v0 =	vimm.f32 $0.0e+00;
	v1 =	vimm.f32 $1.000000000e+00;
	s4 =	sadd.s32 $0x8800, s5;
	s5 =	smax.u32 s6, $0x1;
	s6 =	simm.s32 $0x1  }
.LBB2_1:
0xc: {  	[tilespmem:s2], [sflag:$0x1] =	stream.linear.gather [hbm4b:s3+s2], $0x1400, $0x38;
	[tilespmem:$0x3C00] =	vst v63  }
0xd: {  	_ =	swait.ge [sflag:s6], $0x1400  }
0xe: {  	[sflag:s6] =	ssyncset.done $0x0  }
0xf: {  	s11 =	simm.s32 $0x0;
	[sflag:s6] =	ssyncadd.s32 $0xFFFFEC00  }
.LBB2_2:
0x10: {  	p0 =	sne.s32 s11, $0x9FC0  }
.Ltmp0:
0x11: {  	_ = 	snop;
	(pc) =	sbr.rel @p0 .LBB2_2-.Ltmp0, $3  }
0x12: {  	_ =	sdelay $0x1  }
0x13: {  	s12 =	sshra.s32 s11, $0x2  }
0x14: {  	s11 =	sadd.s32 $0x40, s11;
	[tilespmem:s12+$0x1400] =	vst v0  }
0x15: {  	s12 =	simm.s32 $0x0;
	s11 =	simm.s32 $0x40  }
.LBB2_4:
0x16: {  	p0 =	sne.s32 s11, $0x4FC0;
	v2 =	vld [tilespmem:s12+$0x0];
	_ =	sdelay $0x3  }
.Ltmp1:
0x17: {  	(pc) =	sbr.rel @p0 .LBB2_4-.Ltmp1, $2  }
0x18: {  	_ =	sdelay $0x2  }
0x19: {  	s12 =	sshra.s32 s11, $0x2;
	s11 =	sadd.s32 $0x40, s11;
	[tilespmem:v2+s7+$0x0] =	vst.idx.add.f32.msk $0xffff, v1  }
0x1a: {  	v2 =	vld [tilespmem:s12+$0x0];
	_ =	sdelay $0x5  }
0x1b: {  	s10 =	sadd.s32 $0x1, s10  }
0x1c: {  	p0 =	sne.s32 s10, s5  }
.Ltmp2:
0x1d: {  	[tilespmem:v2+s7+$0x0] =	vst.idx.add.f32.msk $0xffff, v1;
	(pc) =	sbr.rel @p0 .LBB2_1-.Ltmp2, $4  }
0x1e: {  	[hbm4b:s4+s8] =	stream.strided.scatter [tilespmem:s7], [sflag:$0x1], $0x2800, s9, s8, $0x38;
	[tilespmem:$0x3C00] =	vst v63  }
0x1f: {  	_ =	swait.ge [sflag:s6], $0x2800  }
0x20: {  	[sflag:s6] =	ssyncset.done $0x0  }
0x21: {  	[sflag:s6] =	ssyncadd.s32 $0xFFFFD800  }
0x22: {  	_ =	sfence.sel $0x180000  }
0x23: {  	[bflag:$0x0] =	sbarrier.arrive $0xFFFF  }
0x24: {  	p0 =	sne.s32 s0, $0x0;
	_ =	strace $0x90000047  }
0x25: {  	s0 =	sadd.s32 @!p0 $0x100000, s1;
	[bflag:$0x2] =	sbarrier.arrive $0xFFFF  }
0x26: {  	[sflag:s0] =	ssyncadd.tile.s32 @!p0 $0x1;
	_ =	shalt  }
.Lfunc_end2:
_tile_overlayer_lowered:
.L_overlay_start_2:
0x27: {  	(tag) =	ssettag $0x2  }
0x28: {  	s0 =	rddreg [dreg:$0x0];
	s2 =	stileid.u32  }
0x29: {  	s1 =	rddreg [dreg:$0x1];
	p0 =	sne.s32 s2, $0x0  }
0x2a: {  	s3 =	rddreg [dreg:$0x2];
	[bflag:$0x3] =	sbarrier.arrive $0xFFFF;
	s2 =	simm.s32 @!p0 $0x1C01  }
0x2b: {  	[timem:s3], [sflag:s2] =	dma.local @!p0 [hbm:s0], s1  }
0x2c: {  	s0 =	simm.s32 @!p0 $0x1  }
0x2d: {  	_ =	swait.ge @!p0 [sflag:s0], s1  }
0x2e: {  	s1 =	ssub.s32 @!p0 $0x0, s1;
	[sflag:s0] =	ssyncset.done @!p0 $0x0  }
0x2f: {  	[sflag:s0] =	ssyncadd.s32 @!p0 s1  }
0x30: {  	[bflag:$0x3] =	sbarrier.arrive $0xFFFF  }
0x31: {  	_ =	shalt  }

</sc_bundles>
